<compile_context>
chip_gen: v7x
topology: tpu7x:2x2x1
jax: 0.10.2.dev20260603
libtpu: 0.0.44.dev20260713+nightly
codegen_flags: <defaults>
</compile_context>

<pallas_src>
import jax
import jax.numpy as jnp
from jax import lax
from jax.experimental import pallas as pl
from jax.experimental.pallas import tpu as pltpu
from jax.experimental.pallas import tpu_sc as plsc

N = 10000
E = 320000
D = 128
OUT = 128

NC = 2
NS = 16
NW = NC * NS

EDGES_PER_W = E // NW
CHUNK = 80
NCHUNKS = EDGES_PER_W // CHUNK
NP = 10240
ROWS_PER_TILE = NP // NS
HR = NP // 128


NT = NCHUNKS // 3
NREM = NCHUNKS - 3 * NT


def _sc_body(x_hbm, src_hbm, dst_hbm, zrow_hbm,
             agg_hbm, hist_hbm,
             srcs, dsts, rows0, rows1, rows2, hist_v,
             acc_sh,
             semi, semg0, semg1, semg2, sems0, sems1, sems2, semz):
    c = lax.axis_index("c")
    s = lax.axis_index("s")
    w = c * NS + s
    base = w * EDGES_PER_W
    row0 = s * ROWS_PER_TILE

    def load_triple_idx(t, sl):
        for q in range(3):
            off = base + (3 * t + q) * CHUNK
            pltpu.async_copy(src_hbm.at[pl.ds(off, CHUNK)], srcs.at[3 * sl + q], semi)
            pltpu.async_copy(dst_hbm.at[pl.ds(off, CHUNK)], dsts.at[3 * sl + q], semi)

    def drain_triple_idx(sl):
        for q in range(3):
            pltpu.make_async_copy(src_hbm.at[pl.ds(base, CHUNK)],
                                  srcs.at[3 * sl + q], semi).wait()
            pltpu.make_async_copy(dst_hbm.at[pl.ds(base, CHUNK)],
                                  dsts.at[3 * sl + q], semi).wait()

    load_triple_idx(0, 0)
    pltpu.sync_copy(zrow_hbm, rows2)
    zd = []
    for k in range(ROWS_PER_TILE // CHUNK):
        zd.append(pltpu.async_copy(
            rows2, acc_sh.at[pl.ds(row0 + k * CHUNK, CHUNK), :], semz))

    zeros16 = jnp.zeros((16,), jnp.float32)

    def zstep(i, carry):
        for g in range(128 // 16):
            hist_v[i, pl.ds(g * 16, 16)] = zeros16
        return carry

    lax.fori_loop(0, HR, zstep, 0)
    for d in zd:
        d.wait()
    plsc.subcore_barrier()

    ones16 = jnp.ones((16,), jnp.float32)

    def hist_update(dref):
        for g in range(CHUNK // 16):
            ig = dref[pl.ds(g * 16, 16)]
            plsc.addupdate_scatter(
                hist_v, [lax.shift_right_logical(ig, 7),
                         lax.bitwise_and(ig, 127)], ones16)

    def step(i, carry):
        sl = lax.bitwise_and(i, 1)
        s0 = 3 * sl
        drain_triple_idx(sl)
        nxt = lax.rem(i + 1, NT)
        load_triple_idx(nxt, 1 - sl)
        g0 = pltpu.async_copy(x_hbm.at[srcs.at[s0]], rows0, semg0)
        g1 = pltpu.async_copy(x_hbm.at[srcs.at[s0 + 1]], rows1, semg1)
        g2 = pltpu.async_copy(x_hbm.at[srcs.at[s0 + 2]], rows2, semg2)
        g0.wait()
        sc0 = pltpu.async_copy(rows0, acc_sh.at[dsts.at[s0]], sems0, add=True)
        hist_update(dsts.at[s0])
        g1.wait()
        sc1 = pltpu.async_copy(rows1, acc_sh.at[dsts.at[s0 + 1]], sems1, add=True)
        hist_update(dsts.at[s0 + 1])
        g2.wait()
        sc2 = pltpu.async_copy(rows2, acc_sh.at[dsts.at[s0 + 2]], sems2, add=True)
        hist_update(dsts.at[s0 + 2])
        sc0.wait()
        sc1.wait()
        sc2.wait()
        return carry

    lax.fori_loop(0, NT, step, 0)
    drain_triple_idx(lax.bitwise_and(NT, 1))

    offA = base + 3 * NT * CHUNK
    offB = offA + CHUNK
    pltpu.sync_copy(src_hbm.at[pl.ds(offA, CHUNK)], srcs.at[0])
    pltpu.sync_copy(dst_hbm.at[pl.ds(offA, CHUNK)], dsts.at[0])
    pltpu.sync_copy(src_hbm.at[pl.ds(offB, CHUNK)], srcs.at[1])
    pltpu.sync_copy(dst_hbm.at[pl.ds(offB, CHUNK)], dsts.at[1])
    ga = pltpu.async_copy(x_hbm.at[srcs.at[0]], rows0, semg0)
    gb = pltpu.async_copy(x_hbm.at[srcs.at[1]], rows1, semg1)
    ga.wait()
    sa = pltpu.async_copy(rows0, acc_sh.at[dsts.at[0]], sems0, add=True)
    hist_update(dsts.at[0])
    gb.wait()
    sb = pltpu.async_copy(rows1, acc_sh.at[dsts.at[1]], sems1, add=True)
    hist_update(dsts.at[1])
    sa.wait()
    sb.wait()

    plsc.subcore_barrier()

    hd = pltpu.async_copy(hist_v, hist_hbm.at[w], semz)
    nk = ROWS_PER_TILE // CHUNK
    bufs = [rows0, rows1]
    isems = [semg0, semg1]
    osems = [sems0, sems1]
    din = {0: pltpu.async_copy(acc_sh.at[pl.ds(row0, CHUNK), :], bufs[0],
                               isems[0])}
    dout = {}
    for k in range(nk):
        b = k % 2
        din[k].wait()
        if k + 1 < nk:
            if k + 1 >= 2:
                dout[k - 1].wait()
            din[k + 1] = pltpu.async_copy(
                acc_sh.at[pl.ds(row0 + (k + 1) * CHUNK, CHUNK), :],
                bufs[(k + 1) % 2], isems[(k + 1) % 2])
        dout[k] = pltpu.async_copy(
            bufs[b], agg_hbm.at[c, pl.ds(row0 + k * CHUNK, CHUNK), :],
            osems[b])
    dout[nk - 2].wait()
    dout[nk - 1].wait()
    hd.wait()


@jax.jit
def _sc_segment_sum(x, src, dst):
    zrow = jnp.zeros((CHUNK, D), jnp.float32)
    mesh = plsc.VectorSubcoreMesh(core_axis_name="c", subcore_axis_name="s",
                                  num_cores=NC, num_subcores=NS)
    fn = pl.kernel(
        _sc_body,
        out_type=(jax.ShapeDtypeStruct((NC, NP, D), jnp.float32),
                  jax.ShapeDtypeStruct((NW, HR, 128), jnp.float32)),
        mesh=mesh,
        compiler_params=pltpu.CompilerParams(needs_layout_passes=False),
        scratch_types=[
            pltpu.VMEM((6, CHUNK), jnp.int32),
            pltpu.VMEM((6, CHUNK), jnp.int32),
            pltpu.VMEM((CHUNK, D), jnp.float32),
            pltpu.VMEM((CHUNK, D), jnp.float32),
            pltpu.VMEM((CHUNK, D), jnp.float32),
            pltpu.VMEM((HR, 128), jnp.float32),
            pltpu.VMEM_SHARED((NP, D), jnp.float32),
            pltpu.SemaphoreType.DMA,
            pltpu.SemaphoreType.DMA,
            pltpu.SemaphoreType.DMA,
            pltpu.SemaphoreType.DMA,
            pltpu.SemaphoreType.DMA,
            pltpu.SemaphoreType.DMA,
            pltpu.SemaphoreType.DMA,
            pltpu.SemaphoreType.DMA,
        ],
    )
    return fn(x, src, dst, zrow)


def _tc_body(x_ref, a_ref, h_ref, wl_ref, wr_ref, b_ref, h_out, c_out):
    cnt_row = jnp.sum(h_ref[...], axis=0, keepdims=True)
    inv_row = 1.0 / jnp.maximum(cnt_row, 1.0)
    inv_col = lax.dot_general(inv_row, jnp.ones((1, D), jnp.float32),
                              ((( 0,), (0,)), ((), ())),
                              precision=lax.Precision.HIGHEST)
    agg = (a_ref[0] + a_ref[1]) * inv_col
    z = (jnp.dot(agg, wl_ref[...], preferred_element_type=jnp.float32)
         + jnp.dot(x_ref[...], wr_ref[...], preferred_element_type=jnp.float32)
         + b_ref[...])
    i_g = jax.nn.sigmoid(z[:, :OUT])
    t_g = jnp.tanh(z[:, OUT:2 * OUT])
    o_g = jax.nn.sigmoid(z[:, 2 * OUT:])
    c_new = i_g * t_g
    h_out[...] = o_g * jnp.tanh(c_new)
    c_out[...] = c_new


BLK = 2560
HRB = BLK // 128


@jax.jit
def _tc_gates(x, agg2, hist, wl3, wr3, b3):
    grid = (NP // BLK,)
    return pl.pallas_call(
        _tc_body,
        grid=grid,
        in_specs=[
            pl.BlockSpec((BLK, D), lambda i: (i, 0)),
            pl.BlockSpec((NC, BLK, D), lambda i: (0, i, 0)),
            pl.BlockSpec((NW, BLK), lambda i: (0, i)),
            pl.BlockSpec((D, 3 * OUT), lambda i: (0, 0)),
            pl.BlockSpec((D, 3 * OUT), lambda i: (0, 0)),
            pl.BlockSpec((1, 3 * OUT), lambda i: (0, 0)),
        ],
        out_specs=[
            pl.BlockSpec((BLK, OUT), lambda i: (i, 0)),
            pl.BlockSpec((BLK, OUT), lambda i: (i, 0)),
        ],
        out_shape=[
            jax.ShapeDtypeStruct((N, OUT), jnp.float32),
            jax.ShapeDtypeStruct((N, OUT), jnp.float32),
        ],
    )(x, agg2, hist, wl3, wr3, b3)


def kernel(x, edge_index, Wl_i, Wr_i, b_i, Wl_f, Wr_f, b_f,
           Wl_c, Wr_c, b_c, Wl_o, Wr_o, b_o):
    agg2, hist = _sc_segment_sum(x, edge_index[0], edge_index[1])
    hist = hist.reshape(NW, NP)
    wl3 = jnp.concatenate([Wl_i, Wl_c, Wl_o], axis=1)
    wr3 = jnp.concatenate([Wr_i, Wr_c, Wr_o], axis=1)
    b3 = jnp.concatenate([b_i, b_c, b_o]).reshape(1, 3 * OUT)
    h_new, c_new = _tc_gates(x, agg2, hist, wl3, wr3, b3)
    return (h_new, c_new)

# --- scband reference (transcript-rebuilt; emitter-appended) ---
"""Pipeline reference for scband-hetero-glstm-34256659152988 (READ-ONLY COPY).

The authoritative reference and input builder live on the scoring server;
editing this copy changes nothing except your own understanding.
"""

import jax, jax.numpy as jnp
import numpy as np

N = 10000
E = 320000
D = 128
OUT = 128


def _sage(x, edge_index, Wl, Wr, b):
    # SAGEConv with mean aggregation: out = mean_agg(x[src]) @ Wl + x @ Wr + b
    src = edge_index[0]
    dst = edge_index[1]
    msg = jnp.take(x, src, axis=0)
    agg = jax.ops.segment_sum(msg, dst, num_segments=N)
    cnt = jax.ops.segment_sum(jnp.ones((E,), jnp.float32), dst, num_segments=N)
    agg = agg / jnp.maximum(cnt, 1.0)[:, None]
    return agg @ Wl + x @ Wr + b


def setup_inputs(seed: int = 0) -> dict:
    key = jax.random.key(seed)
    ks = jax.random.split(key, 16)
    x = jax.random.normal(ks[0], (N, D), dtype=jnp.float32)
    edge_index = jax.random.randint(ks[1], (2, E), 0, N, dtype=jnp.int32)
    scale = 1.0 / np.sqrt(D)
    inp = {"x": x, "edge_index": edge_index}
    names = ["i", "f", "c", "o"]
    for gi, g in enumerate(names):
        inp[f"Wl_{g}"] = jax.random.normal(ks[2 + 3 * gi], (D, OUT), dtype=jnp.float32) * scale
        inp[f"Wr_{g}"] = jax.random.normal(ks[3 + 3 * gi], (D, OUT), dtype=jnp.float32) * scale
        inp[f"b_{g}"] = jnp.zeros((OUT,), dtype=jnp.float32)
    return inp


def reference(x, edge_index, Wl_i, Wr_i, b_i, Wl_f, Wr_f, b_f, Wl_c, Wr_c, b_c, Wl_o, Wr_o, b_o):
    # HeteroGLSTM forward with single node type 'n' and single edge type ('n','to','n'),
    # num_layers=1. h_dict and c_dict default to zeros (as in _set_hidden_state/_set_cell_state).
    h0 = jnp.zeros((x.shape[0], OUT), dtype=x.dtype)
    c0 = jnp.zeros((x.shape[0], OUT), dtype=x.dtype)
    i_g = jax.nn.sigmoid(_sage(x, edge_index, Wl_i, Wr_i, b_i))
    f_g = jax.nn.sigmoid(_sage(x, edge_index, Wl_f, Wr_f, b_f))
    t_g = jnp.tanh(_sage(x, edge_index, Wl_c, Wr_c, b_c))
    c_new = f_g * c0 + i_g * t_g
    o_g = jax.nn.sigmoid(_sage(x, edge_index, Wl_o, Wr_o, b_o))
    h_new = o_g * jnp.tanh(c_new)
    return (h_new, c_new)

if __name__ == "__main__":
    import jax
    _d = setup_inputs()
    print(jax.jit(kernel)(*tuple(_d.values())))

</pallas_src>

<mosaic_0001>
#map = affine_map<(d0, d1) -> (0, 0)>
#map1 = affine_map<(d0, d1) -> (0)>
#map2 = affine_map<(d0, d1) -> (0, 0, 0)>
module attributes {stable_mosaic.version = 14 : i64} {
  func.func @_sc_body(%arg0: i32, %arg1: i32, %arg2: memref<10000x128xf32, #tpu.memory_space<hbm>>, %arg3: memref<320000xi32, #tpu.memory_space<hbm>>, %arg4: memref<320000xi32, #tpu.memory_space<hbm>>, %arg5: memref<80x128xf32, #tpu.memory_space<hbm>>, %arg6: memref<2x10240x128xf32, #tpu.memory_space<hbm>>, %arg7: memref<32x80x128xf32, #tpu.memory_space<hbm>>, %arg8: memref<6x80xi32, #tpu.memory_space<vmem>>, %arg9: memref<6x80xi32, #tpu.memory_space<vmem>>, %arg10: memref<80x128xf32, #tpu.memory_space<vmem>>, %arg11: memref<80x128xf32, #tpu.memory_space<vmem>>, %arg12: memref<80x128xf32, #tpu.memory_space<vmem>>, %arg13: memref<80x128xf32, #tpu.memory_space<vmem>>, %arg14: memref<10240x128xf32, #tpu.memory_space<vmem_shared>>, %arg15: memref<!tpu.dma_semaphore, #tpu.memory_space<semaphore_mem>>, %arg16: memref<!tpu.dma_semaphore, #tpu.memory_space<semaphore_mem>>, %arg17: memref<!tpu.dma_semaphore, #tpu.memory_space<semaphore_mem>>, %arg18: memref<!tpu.dma_semaphore, #tpu.memory_space<semaphore_mem>>, %arg19: memref<!tpu.dma_semaphore, #tpu.memory_space<semaphore_mem>>, %arg20: memref<!tpu.dma_semaphore, #tpu.memory_space<semaphore_mem>>, %arg21: memref<!tpu.dma_semaphore, #tpu.memory_space<semaphore_mem>>, %arg22: memref<!tpu.dma_semaphore, #tpu.memory_space<semaphore_mem>>) attributes {dimension_semantics = [#tpu.dimension_semantics<core_parallel>, #tpu.dimension_semantics<subcore_parallel>], iteration_bounds = array<i64: 2, 16>, scalar_prefetch = 0 : i64, scratch_operands = 15 : i64, tpu.core_type = #tpu.core_type<sc_vector_subcore>, window_params = [{transform_indices = #map}, {transform_indices = #map1}, {transform_indices = #map1}, {transform_indices = #map}, {transform_indices = #map2}, {transform_indices = #map2}]} {
    %mul3A = arith.constant 16 : i32
    %mul3A_0 = arith.muli %arg0, %mul3A : i32
    %add3A = arith.addi %mul3A_0, %arg1 : i32
    %mul3A_1 = arith.constant 10000 : i32
    %mul3A_2 = arith.muli %add3A, %mul3A_1 : i32
    %mul3A_3 = arith.constant 640 : i32
    %mul3A_4 = arith.muli %arg1, %mul3A_3 : i32
    %add3A_5 = arith.constant 0 : i32
    %add3A_6 = arith.addi %mul3A_2, %add3A_5 : i32
    %dma_start3A = arith.constant 0 : i32
    %dma_start3A_7 = arith.constant 0 : i32
    %dma_start3A_8 = tpu.memref_slice %arg8[%dma_start3A, %dma_start3A_7] : memref<6x80xi32, #tpu.memory_space<vmem>> -> memref<1x80xi32, #tpu.memory_space<vmem>>
    %dma_start3A_9 = tpu.memref_squeeze %dma_start3A_8 : memref<1x80xi32, #tpu.memory_space<vmem>> -> memref<80xi32, #tpu.memory_space<vmem>>
    %dma_start3A_10 = tpu.memref_slice %arg3[%add3A_6] : memref<320000xi32, #tpu.memory_space<hbm>> -> memref<80xi32, #tpu.memory_space<hbm>>
    %dma_start3A_11 = arith.constant 0 : i32
    %dma_start3A_12 = tpu.memref_slice %arg8[%dma_start3A, %dma_start3A_11] : memref<6x80xi32, #tpu.memory_space<vmem>> -> memref<1x80xi32, #tpu.memory_space<vmem>>
    %dma_start3A_13 = tpu.memref_squeeze %dma_start3A_12 : memref<1x80xi32, #tpu.memory_space<vmem>> -> memref<80xi32, #tpu.memory_space<vmem>>
    %dma_start3A_14 = tpu.memref_slice %arg3[%add3A_6] : memref<320000xi32, #tpu.memory_space<hbm>> -> memref<80xi32, #tpu.memory_space<hbm>>
    tpu.enqueue_dma source(%dma_start3A_14 : memref<80xi32, #tpu.memory_space<hbm>>) target(%dma_start3A_13 : memref<80xi32, #tpu.memory_space<vmem>>) target_semaphore(%arg15 : memref<!tpu.dma_semaphore, #tpu.memory_space<semaphore_mem>>)
    %dma_start3A_15 = arith.constant 0 : i32
    %dma_start3A_16 = arith.constant 0 : i32
    %dma_start3A_17 = tpu.memref_slice %arg9[%dma_start3A_15, %dma_start3A_16] : memref<6x80xi32, #tpu.memory_space<vmem>> -> memref<1x80xi32, #tpu.memory_space<vmem>>
    %dma_start3A_18 = tpu.memref_squeeze %dma_start3A_17 : memref<1x80xi32, #tpu.memory_space<vmem>> -> memref<80xi32, #tpu.memory_space<vmem>>
    %dma_start3A_19 = tpu.memref_slice %arg4[%add3A_6] : memref<320000xi32, #tpu.memory_space<hbm>> -> memref<80xi32, #tpu.memory_space<hbm>>
    %dma_start3A_20 = arith.constant 0 : i32
    %dma_start3A_21 = tpu.memref_slice %arg9[%dma_start3A_15, %dma_start3A_20] : memref<6x80xi32, #tpu.memory_space<vmem>> -> memref<1x80xi32, #tpu.memory_space<vmem>>
    %dma_start3A_22 = tpu.memref_squeeze %dma_start3A_21 : memref<1x80xi32, #tpu.memory_space<vmem>> -> memref<80xi32, #tpu.memory_space<vmem>>
    %dma_start3A_23 = tpu.memref_slice %arg4[%add3A_6] : memref<320000xi32, #tpu.memory_space<hbm>> -> memref<80xi32, #tpu.memory_space<hbm>>
    tpu.enqueue_dma source(%dma_start3A_23 : memref<80xi32, #tpu.memory_space<hbm>>) target(%dma_start3A_22 : memref<80xi32, #tpu.memory_space<vmem>>) target_semaphore(%arg15 : memref<!tpu.dma_semaphore, #tpu.memory_space<semaphore_mem>>)
    %add3A_24 = arith.constant 80 : i32
    %add3A_25 = arith.addi %mul3A_2, %add3A_24 : i32
    %dma_start3A_26 = arith.constant 1 : i32
    %dma_start3A_27 = arith.constant 0 : i32
    %dma_start3A_28 = tpu.memref_slice %arg8[%dma_start3A_26, %dma_start3A_27] : memref<6x80xi32, #tpu.memory_space<vmem>> -> memref<1x80xi32, #tpu.memory_space<vmem>>
    %dma_start3A_29 = tpu.memref_squeeze %dma_start3A_28 : memref<1x80xi32, #tpu.memory_space<vmem>> -> memref<80xi32, #tpu.memory_space<vmem>>
    %dma_start3A_30 = tpu.memref_slice %arg3[%add3A_25] : memref<320000xi32, #tpu.memory_space<hbm>> -> memref<80xi32, #tpu.memory_space<hbm>>
    %dma_start3A_31 = arith.constant 0 : i32
    %dma_start3A_32 = tpu.memref_slice %arg8[%dma_start3A_26, %dma_start3A_31] : memref<6x80xi32, #tpu.memory_space<vmem>> -> memref<1x80xi32, #tpu.memory_space<vmem>>
    %dma_start3A_33 = tpu.memref_squeeze %dma_start3A_32 : memref<1x80xi32, #tpu.memory_space<vmem>> -> memref<80xi32, #tpu.memory_space<vmem>>
    %dma_start3A_34 = tpu.memref_slice %arg3[%add3A_25] : memref<320000xi32, #tpu.memory_space<hbm>> -> memref<80xi32, #tpu.memory_space<hbm>>
    tpu.enqueue_dma source(%dma_start3A_34 : memref<80xi32, #tpu.memory_space<hbm>>) target(%dma_start3A_33 : memref<80xi32, #tpu.memory_space<vmem>>) target_semaphore(%arg15 : memref<!tpu.dma_semaphore, #tpu.memory_space<semaphore_mem>>)
    %dma_start3A_35 = arith.constant 1 : i32
    %dma_start3A_36 = arith.constant 0 : i32
    %dma_start3A_37 = tpu.memref_slice %arg9[%dma_start3A_35, %dma_start3A_36] : memref<6x80xi32, #tpu.memory_space<vmem>> -> memref<1x80xi32, #tpu.memory_space<vmem>>
    %dma_start3A_38 = tpu.memref_squeeze %dma_start3A_37 : memref<1x80xi32, #tpu.memory_space<vmem>> -> memref<80xi32, #tpu.memory_space<vmem>>
    %dma_start3A_39 = tpu.memref_slice %arg4[%add3A_25] : memref<320000xi32, #tpu.memory_space<hbm>> -> memref<80xi32, #tpu.memory_space<hbm>>
    %dma_start3A_40 = arith.constant 0 : i32
    %dma_start3A_41 = tpu.memref_slice %arg9[%dma_start3A_35, %dma_start3A_40] : memref<6x80xi32, #tpu.memory_space<vmem>> -> memref<1x80xi32, #tpu.memory_space<vmem>>
    %dma_start3A_42 = tpu.memref_squeeze %dma_start3A_41 : memref<1x80xi32, #tpu.memory_space<vmem>> -> memref<80xi32, #tpu.memory_space<vmem>>
    %dma_start3A_43 = tpu.memref_slice %arg4[%add3A_25] : memref<320000xi32, #tpu.memory_space<hbm>> -> memref<80xi32, #tpu.memory_space<hbm>>
    tpu.enqueue_dma source(%dma_start3A_43 : memref<80xi32, #tpu.memory_space<hbm>>) target(%dma_start3A_42 : memref<80xi32, #tpu.memory_space<vmem>>) target_semaphore(%arg15 : memref<!tpu.dma_semaphore, #tpu.memory_space<semaphore_mem>>)
    %add3A_44 = arith.constant 160 : i32
    %add3A_45 = arith.addi %mul3A_2, %add3A_44 : i32
    %dma_start3A_46 = arith.constant 2 : i32
    %dma_start3A_47 = arith.constant 0 : i32
    %dma_start3A_48 = tpu.memref_slice %arg8[%dma_start3A_46, %dma_start3A_47] : memref<6x80xi32, #tpu.memory_space<vmem>> -> memref<1x80xi32, #tpu.memory_space<vmem>>
    %dma_start3A_49 = tpu.memref_squeeze %dma_start3A_48 : memref<1x80xi32, #tpu.memory_space<vmem>> -> memref<80xi32, #tpu.memory_space<vmem>>
    %dma_start3A_50 = tpu.memref_slice %arg3[%add3A_45] : memref<320000xi32, #tpu.memory_space<hbm>> -> memref<80xi32, #tpu.memory_space<hbm>>
    %dma_start3A_51 = arith.constant 0 : i32
    %dma_start3A_52 = tpu.memref_slice %arg8[%dma_start3A_46, %dma_start3A_51] : memref<6x80xi32, #tpu.memory_space<vmem>> -> memref<1x80xi32, #tpu.memory_space<vmem>>
    %dma_start3A_53 = tpu.memref_squeeze %dma_start3A_52 : memref<1x80xi32, #tpu.memory_space<vmem>> -> memref<80xi32, #tpu.memory_space<vmem>>
    %dma_start3A_54 = tpu.memref_slice %arg3[%add3A_45] : memref<320000xi32, #tpu.memory_space<hbm>> -> memref<80xi32, #tpu.memory_space<hbm>>
    tpu.enqueue_dma source(%dma_start3A_54 : memref<80xi32, #tpu.memory_space<hbm>>) target(%dma_start3A_53 : memref<80xi32, #tpu.memory_space<vmem>>) target_semaphore(%arg15 : memref<!tpu.dma_semaphore, #tpu.memory_space<semaphore_mem>>)
    %dma_start3A_55 = arith.constant 2 : i32
    %dma_start3A_56 = arith.constant 0 : i32
    %dma_start3A_57 = tpu.memref_slice %arg9[%dma_start3A_55, %dma_start3A_56] : memref<6x80xi32, #tpu.memory_space<vmem>> -> memref<1x80xi32, #tpu.memory_space<vmem>>
    %dma_start3A_58 = tpu.memref_squeeze %dma_start3A_57 : memref<1x80xi32, #tpu.memory_space<vmem>> -> memref<80xi32, #tpu.memory_space<vmem>>
    %dma_start3A_59 = tpu.memref_slice %arg4[%add3A_45] : memref<320000xi32, #tpu.memory_space<hbm>> -> memref<80xi32, #tpu.memory_space<hbm>>
    %dma_start3A_60 = arith.constant 0 : i32
    %dma_start3A_61 = tpu.memref_slice %arg9[%dma_start3A_55, %dma_start3A_60] : memref<6x80xi32, #tpu.memory_space<vmem>> -> memref<1x80xi32, #tpu.memory_space<vmem>>
    %dma_start3A_62 = tpu.memref_squeeze %dma_start3A_61 : memref<1x80xi32, #tpu.memory_space<vmem>> -> memref<80xi32, #tpu.memory_space<vmem>>
    %dma_start3A_63 = tpu.memref_slice %arg4[%add3A_45] : memref<320000xi32, #tpu.memory_space<hbm>> -> memref<80xi32, #tpu.memory_space<hbm>>
    tpu.enqueue_dma source(%dma_start3A_63 : memref<80xi32, #tpu.memory_space<hbm>>) target(%dma_start3A_62 : memref<80xi32, #tpu.memory_space<vmem>>) target_semaphore(%arg15 : memref<!tpu.dma_semaphore, #tpu.memory_space<semaphore_mem>>)
    "tpu.region"() ({
      %run_scoped3A_619 = tpu.sem_alloc : memref<!tpu.dma_semaphore, #tpu.memory_space<semaphore_mem>>
      tpu.enqueue_dma source(%arg5 : memref<80x128xf32, #tpu.memory_space<hbm>>) target(%arg12 : memref<80x128xf32, #tpu.memory_space<vmem>>) target_semaphore(%run_scoped3A_619 : memref<!tpu.dma_semaphore, #tpu.memory_space<semaphore_mem>>)
      tpu.wait_dma2 semaphore(%run_scoped3A_619 : memref<!tpu.dma_semaphore, #tpu.memory_space<semaphore_mem>>) src(%arg5 : memref<80x128xf32, #tpu.memory_space<hbm>>) dst(%arg12 : memref<80x128xf32, #tpu.memory_space<vmem>>)
      tpu.yield
    }) : () -> ()
    %add3A_64 = arith.constant 0 : i32
    %add3A_65 = arith.addi %mul3A_4, %add3A_64 : i32
    %dma_start3A_66 = arith.constant 0 : i32
    %dma_start3A_67 = tpu.memref_slice %arg14[%add3A_65, %dma_start3A_66] : memref<10240x128xf32, #tpu.memory_space<vmem_shared>> -> memref<80x128xf32, #tpu.memory_space<vmem_shared>>
    %dma_start3A_68 = arith.constant 0 : i32
    %dma_start3A_69 = tpu.memref_slice %arg14[%add3A_65, %dma_start3A_68] : memref<10240x128xf32, #tpu.memory_space<vmem_shared>> -> memref<80x128xf32, #tpu.memory_space<vmem_shared>>
    tpu.enqueue_dma source(%arg12 : memref<80x128xf32, #tpu.memory_space<vmem>>) target(%dma_start3A_69 : memref<80x128xf32, #tpu.memory_space<vmem_shared>>) target_semaphore(%arg22 : memref<!tpu.dma_semaphore, #tpu.memory_space<semaphore_mem>>)
    %add3A_70 = arith.constant 80 : i32
    %add3A_71 = arith.addi %mul3A_4, %add3A_70 : i32
    %dma_start3A_72 = arith.constant 0 : i32
    %dma_start3A_73 = tpu.memref_slice %arg14[%add3A_71, %dma_start3A_72] : memref<10240x128xf32, #tpu.memory_space<vmem_shared>> -> memref<80x128xf32, #tpu.memory_space<vmem_shared>>
    %dma_start3A_74 = arith.constant 0 : i32
    %dma_start3A_75 = tpu.memref_slice %arg14[%add3A_71, %dma_start3A_74] : memref<10240x128xf32, #tpu.memory_space<vmem_shared>> -> memref<80x128xf32, #tpu.memory_space<vmem_shared>>
    tpu.enqueue_dma source(%arg12 : memref<80x128xf32, #tpu.memory_space<vmem>>) target(%dma_start3A_75 : memref<80x128xf32, #tpu.memory_space<vmem_shared>>) target_semaphore(%arg22 : memref<!tpu.dma_semaphore, #tpu.memory_space<semaphore_mem>>)
    %add3A_76 = arith.constant 160 : i32
    %add3A_77 = arith.addi %mul3A_4, %add3A_76 : i32
    %dma_start3A_78 = arith.constant 0 : i32
    %dma_start3A_79 = tpu.memref_slice %arg14[%add3A_77, %dma_start3A_78] : memref<10240x128xf32, #tpu.memory_space<vmem_shared>> -> memref<80x128xf32, #tpu.memory_space<vmem_shared>>
    %dma_start3A_80 = arith.constant 0 : i32
    %dma_start3A_81 = tpu.memref_slice %arg14[%add3A_77, %dma_start3A_80] : memref<10240x128xf32, #tpu.memory_space<vmem_shared>> -> memref<80x128xf32, #tpu.memory_space<vmem_shared>>
    tpu.enqueue_dma source(%arg12 : memref<80x128xf32, #tpu.memory_space<vmem>>) target(%dma_start3A_81 : memref<80x128xf32, #tpu.memory_space<vmem_shared>>) target_semaphore(%arg22 : memref<!tpu.dma_semaphore, #tpu.memory_space<semaphore_mem>>)
    %add3A_82 = arith.constant 240 : i32
    %add3A_83 = arith.addi %mul3A_4, %add3A_82 : i32
    %dma_start3A_84 = arith.constant 0 : i32
    %dma_start3A_85 = tpu.memref_slice %arg14[%add3A_83, %dma_start3A_84] : memref<10240x128xf32, #tpu.memory_space<vmem_shared>> -> memref<80x128xf32, #tpu.memory_space<vmem_shared>>
    %dma_start3A_86 = arith.constant 0 : i32
    %dma_start3A_87 = tpu.memref_slice %arg14[%add3A_83, %dma_start3A_86] : memref<10240x128xf32, #tpu.memory_space<vmem_shared>> -> memref<80x128xf32, #tpu.memory_space<vmem_shared>>
    tpu.enqueue_dma source(%arg12 : memref<80x128xf32, #tpu.memory_space<vmem>>) target(%dma_start3A_87 : memref<80x128xf32, #tpu.memory_space<vmem_shared>>) target_semaphore(%arg22 : memref<!tpu.dma_semaphore, #tpu.memory_space<semaphore_mem>>)
    %add3A_88 = arith.constant 320 : i32
    %add3A_89 = arith.addi %mul3A_4, %add3A_88 : i32
    %dma_start3A_90 = arith.constant 0 : i32
    %dma_start3A_91 = tpu.memref_slice %arg14[%add3A_89, %dma_start3A_90] : memref<10240x128xf32, #tpu.memory_space<vmem_shared>> -> memref<80x128xf32, #tpu.memory_space<vmem_shared>>
    %dma_start3A_92 = arith.constant 0 : i32
    %dma_start3A_93 = tpu.memref_slice %arg14[%add3A_89, %dma_start3A_92] : memref<10240x128xf32, #tpu.memory_space<vmem_shared>> -> memref<80x128xf32, #tpu.memory_space<vmem_shared>>
    tpu.enqueue_dma source(%arg12 : memref<80x128xf32, #tpu.memory_space<vmem>>) target(%dma_start3A_93 : memref<80x128xf32, #tpu.memory_space<vmem_shared>>) target_semaphore(%arg22 : memref<!tpu.dma_semaphore, #tpu.memory_space<semaphore_mem>>)
    %add3A_94 = arith.constant 400 : i32
    %add3A_95 = arith.addi %mul3A_4, %add3A_94 : i32
    %dma_start3A_96 = arith.constant 0 : i32
    %dma_start3A_97 = tpu.memref_slice %arg14[%add3A_95, %dma_start3A_96] : memref<10240x128xf32, #tpu.memory_space<vmem_shared>> -> memref<80x128xf32, #tpu.memory_space<vmem_shared>>
    %dma_start3A_98 = arith.constant 0 : i32
    %dma_start3A_99 = tpu.memref_slice %arg14[%add3A_95, %dma_start3A_98] : memref<10240x128xf32, #tpu.memory_space<vmem_shared>> -> memref<80x128xf32, #tpu.memory_space<vmem_shared>>
    tpu.enqueue_dma source(%arg12 : memref<80x128xf32, #tpu.memory_space<vmem>>) target(%dma_start3A_99 : memref<80x128xf32, #tpu.memory_space<vmem_shared>>) target_semaphore(%arg22 : memref<!tpu.dma_semaphore, #tpu.memory_space<semaphore_mem>>)
    %add3A_100 = arith.constant 480 : i32
    %add3A_101 = arith.addi %mul3A_4, %add3A_100 : i32
    %dma_start3A_102 = arith.constant 0 : i32
    %dma_start3A_103 = tpu.memref_slice %arg14[%add3A_101, %dma_start3A_102] : memref<10240x128xf32, #tpu.memory_space<vmem_shared>> -> memref<80x128xf32, #tpu.memory_space<vmem_shared>>
    %dma_start3A_104 = arith.constant 0 : i32
    %dma_start3A_105 = tpu.memref_slice %arg14[%add3A_101, %dma_start3A_104] : memref<10240x128xf32, #tpu.memory_space<vmem_shared>> -> memref<80x128xf32, #tpu.memory_space<vmem_shared>>
    tpu.enqueue_dma source(%arg12 : memref<80x128xf32, #tpu.memory_space<vmem>>) target(%dma_start3A_105 : memref<80x128xf32, #tpu.memory_space<vmem_shared>>) target_semaphore(%arg22 : memref<!tpu.dma_semaphore, #tpu.memory_space<semaphore_mem>>)
    %add3A_106 = arith.constant 560 : i32
    %add3A_107 = arith.addi %mul3A_4, %add3A_106 : i32
    %dma_start3A_108 = arith.constant 0 : i32
    %dma_start3A_109 = tpu.memref_slice %arg14[%add3A_107, %dma_start3A_108] : memref<10240x128xf32, #tpu.memory_space<vmem_shared>> -> memref<80x128xf32, #tpu.memory_space<vmem_shared>>
    %dma_start3A_110 = arith.constant 0 : i32
    %dma_start3A_111 = tpu.memref_slice %arg14[%add3A_107, %dma_start3A_110] : memref<10240x128xf32, #tpu.memory_space<vmem_shared>> -> memref<80x128xf32, #tpu.memory_space<vmem_shared>>
    tpu.enqueue_dma source(%arg12 : memref<80x128xf32, #tpu.memory_space<vmem>>) target(%dma_start3A_111 : memref<80x128xf32, #tpu.memory_space<vmem_shared>>) target_semaphore(%arg22 : memref<!tpu.dma_semaphore, #tpu.memory_space<semaphore_mem>>)
    %broadcast_in_dim3A = arith.constant 0.000000e+00 : f32
    %broadcast_in_dim3A_112 = vector.broadcast %broadcast_in_dim3A : f32 to vector<16xf32>
    %scan3A = arith.constant 0 : i32
    %scan3A_113 = arith.constant 0 : i32
    %scan3A_114 = arith.constant 80 : i32
    %scan3A_115 = arith.addi %scan3A_113, %scan3A_114 : i32
    %scan3A_116 = arith.constant 1 : i32
    scf.for %scan3A_619 = %scan3A_113 to %scan3A_115 step %scan3A_116  : i32 {
      %swap3A = arith.index_cast %scan3A_619 : i32 to index
      %swap3A_620 = arith.constant 0 : index
      %swap3A_621 = tpu.vector_load %arg13[%swap3A, %swap3A_620] {strides = array<i32>} : memref<80x128xf32, #tpu.memory_space<vmem>>, vector<16xf32>,
      tpu.vector_store %arg13[%swap3A, %swap3A_620], %broadcast_in_dim3A_112 {strides = array<i32>} : memref<80x128xf32, #tpu.memory_space<vmem>>, vector<16xf32>,
      %swap3A_622 = arith.index_cast %scan3A_619 : i32 to index
      %swap3A_623 = arith.constant 16 : index
      %swap3A_624 = tpu.vector_load %arg13[%swap3A_622, %swap3A_623] {strides = array<i32>} : memref<80x128xf32, #tpu.memory_space<vmem>>, vector<16xf32>,
      tpu.vector_store %arg13[%swap3A_622, %swap3A_623], %broadcast_in_dim3A_112 {strides = array<i32>} : memref<80x128xf32, #tpu.memory_space<vmem>>, vector<16xf32>,
      %swap3A_625 = arith.index_cast %scan3A_619 : i32 to index
      %swap3A_626 = arith.constant 32 : index
      %swap3A_627 = tpu.vector_load %arg13[%swap3A_625, %swap3A_626] {strides = array<i32>} : memref<80x128xf32, #tpu.memory_space<vmem>>, vector<16xf32>,
      tpu.vector_store %arg13[%swap3A_625, %swap3A_626], %broadcast_in_dim3A_112 {strides = array<i32>} : memref<80x128xf32, #tpu.memory_space<vmem>>, vector<16xf32>,
      %swap3A_628 = arith.index_cast %scan3A_619 : i32 to index
      %swap3A_629 = arith.constant 48 : index
      %swap3A_630 = tpu.vector_load %arg13[%swap3A_628, %swap3A_629] {strides = array<i32>} : memref<80x128xf32, #tpu.memory_space<vmem>>, vector<16xf32>,
      tpu.vector_store %arg13[%swap3A_628, %swap3A_629], %broadcast_in_dim3A_112 {strides = array<i32>} : memref<80x128xf32, #tpu.memory_space<vmem>>, vector<16xf32>,
      %swap3A_631 = arith.index_cast %scan3A_619 : i32 to index
      %swap3A_632 = arith.constant 64 : index
      %swap3A_633 = tpu.vector_load %arg13[%swap3A_631, %swap3A_632] {strides = array<i32>} : memref<80x128xf32, #tpu.memory_space<vmem>>, vector<16xf32>,
      tpu.vector_store %arg13[%swap3A_631, %swap3A_632], %broadcast_in_dim3A_112 {strides = array<i32>} : memref<80x128xf32, #tpu.memory_space<vmem>>, vector<16xf32>,
      %swap3A_634 = arith.index_cast %scan3A_619 : i32 to index
      %swap3A_635 = arith.constant 80 : index
      %swap3A_636 = tpu.vector_load %arg13[%swap3A_634, %swap3A_635] {strides = array<i32>} : memref<80x128xf32, #tpu.memory_space<vmem>>, vector<16xf32>,
      tpu.vector_store %arg13[%swap3A_634, %swap3A_635], %broadcast_in_dim3A_112 {strides = array<i32>} : memref<80x128xf32, #tpu.memory_space<vmem>>, vector<16xf32>,
      %swap3A_637 = arith.index_cast %scan3A_619 : i32 to index
      %swap3A_638 = arith.constant 96 : index
      %swap3A_639 = tpu.vector_load %arg13[%swap3A_637, %swap3A_638] {strides = array<i32>} : memref<80x128xf32, #tpu.memory_space<vmem>>, vector<16xf32>,
      tpu.vector_store %arg13[%swap3A_637, %swap3A_638], %broadcast_in_dim3A_112 {strides = array<i32>} : memref<80x128xf32, #tpu.memory_space<vmem>>, vector<16xf32>,
      %swap3A_640 = arith.index_cast %scan3A_619 : i32 to index
      %swap3A_641 = arith.constant 112 : index
      %swap3A_642 = tpu.vector_load %arg13[%swap3A_640, %swap3A_641] {strides = array<i32>} : memref<80x128xf32, #tpu.memory_space<vmem>>, vector<16xf32>,
      tpu.vector_store %arg13[%swap3A_640, %swap3A_641], %broadcast_in_dim3A_112 {strides = array<i32>} : memref<80x128xf32, #tpu.memory_space<vmem>>, vector<16xf32>,
    }
    %scan3A_117 = arith.constant 80 : i32
    %dma_wait3A = arith.constant 0 : i32
    %dma_wait3A_118 = tpu.memref_slice %arg14[%add3A_65, %dma_wait3A] : memref<10240x128xf32, #tpu.memory_space<vmem_shared>> -> memref<80x128xf32, #tpu.memory_space<vmem_shared>>
    %dma_wait3A_119 = arith.constant 0 : i32
    %dma_wait3A_120 = tpu.memref_slice %arg14[%add3A_65, %dma_wait3A_119] : memref<10240x128xf32, #tpu.memory_space<vmem_shared>> -> memref<80x128xf32, #tpu.memory_space<vmem_shared>>
    tpu.wait_dma2 semaphore(%arg22 : memref<!tpu.dma_semaphore, #tpu.memory_space<semaphore_mem>>) src(%arg12 : memref<80x128xf32, #tpu.memory_space<vmem>>) dst(%dma_wait3A_120 : memref<80x128xf32, #tpu.memory_space<vmem_shared>>)
    %dma_wait3A_121 = arith.constant 0 : i32
    %dma_wait3A_122 = tpu.memref_slice %arg14[%add3A_71, %dma_wait3A_121] : memref<10240x128xf32, #tpu.memory_space<vmem_shared>> -> memref<80x128xf32, #tpu.memory_space<vmem_shared>>
    %dma_wait3A_123 = arith.constant 0 : i32
    %dma_wait3A_124 = tpu.memref_slice %arg14[%add3A_71, %dma_wait3A_123] : memref<10240x128xf32, #tpu.memory_space<vmem_shared>> -> memref<80x128xf32, #tpu.memory_space<vmem_shared>>
    tpu.wait_dma2 semaphore(%arg22 : memref<!tpu.dma_semaphore, #tpu.memory_space<semaphore_mem>>) src(%arg12 : memref<80x128xf32, #tpu.memory_space<vmem>>) dst(%dma_wait3A_124 : memref<80x128xf32, #tpu.memory_space<vmem_shared>>)
    %dma_wait3A_125 = arith.constant 0 : i32
    %dma_wait3A_126 = tpu.memref_slice %arg14[%add3A_77, %dma_wait3A_125] : memref<10240x128xf32, #tpu.memory_space<vmem_shared>> -> memref<80x128xf32, #tpu.memory_space<vmem_shared>>
    %dma_wait3A_127 = arith.constant 0 : i32
    %dma_wait3A_128 = tpu.memref_slice %arg14[%add3A_77, %dma_wait3A_127] : memref<10240x128xf32, #tpu.memory_space<vmem_shared>> -> memref<80x128xf32, #tpu.memory_space<vmem_shared>>
    tpu.wait_dma2 semaphore(%arg22 : memref<!tpu.dma_semaphore, #tpu.memory_space<semaphore_mem>>) src(%arg12 : memref<80x128xf32, #tpu.memory_space<vmem>>) dst(%dma_wait3A_128 : memref<80x128xf32, #tpu.memory_space<vmem_shared>>)
    %dma_wait3A_129 = arith.constant 0 : i32
    %dma_wait3A_130 = tpu.memref_slice %arg14[%add3A_83, %dma_wait3A_129] : memref<10240x128xf32, #tpu.memory_space<vmem_shared>> -> memref<80x128xf32, #tpu.memory_space<vmem_shared>>
    %dma_wait3A_131 = arith.constant 0 : i32
    %dma_wait3A_132 = tpu.memref_slice %arg14[%add3A_83, %dma_wait3A_131] : memref<10240x128xf32, #tpu.memory_space<vmem_shared>> -> memref<80x128xf32, #tpu.memory_space<vmem_shared>>
    tpu.wait_dma2 semaphore(%arg22 : memref<!tpu.dma_semaphore, #tpu.memory_space<semaphore_mem>>) src(%arg12 : memref<80x128xf32, #tpu.memory_space<vmem>>) dst(%dma_wait3A_132 : memref<80x128xf32, #tpu.memory_space<vmem_shared>>)
    %dma_wait3A_133 = arith.constant 0 : i32
    %dma_wait3A_134 = tpu.memref_slice %arg14[%add3A_89, %dma_wait3A_133] : memref<10240x128xf32, #tpu.memory_space<vmem_shared>> -> memref<80x128xf32, #tpu.memory_space<vmem_shared>>
    %dma_wait3A_135 = arith.constant 0 : i32
    %dma_wait3A_136 = tpu.memref_slice %arg14[%add3A_89, %dma_wait3A_135] : memref<10240x128xf32, #tpu.memory_space<vmem_shared>> -> memref<80x128xf32, #tpu.memory_space<vmem_shared>>
    tpu.wait_dma2 semaphore(%arg22 : memref<!tpu.dma_semaphore, #tpu.memory_space<semaphore_mem>>) src(%arg12 : memref<80x128xf32, #tpu.memory_space<vmem>>) dst(%dma_wait3A_136 : memref<80x128xf32, #tpu.memory_space<vmem_shared>>)
    %dma_wait3A_137 = arith.constant 0 : i32
    %dma_wait3A_138 = tpu.memref_slice %arg14[%add3A_95, %dma_wait3A_137] : memref<10240x128xf32, #tpu.memory_space<vmem_shared>> -> memref<80x128xf32, #tpu.memory_space<vmem_shared>>
    %dma_wait3A_139 = arith.constant 0 : i32
    %dma_wait3A_140 = tpu.memref_slice %arg14[%add3A_95, %dma_wait3A_139] : memref<10240x128xf32, #tpu.memory_space<vmem_shared>> -> memref<80x128xf32, #tpu.memory_space<vmem_shared>>
    tpu.wait_dma2 semaphore(%arg22 : memref<!tpu.dma_semaphore, #tpu.memory_space<semaphore_mem>>) src(%arg12 : memref<80x128xf32, #tpu.memory_space<vmem>>) dst(%dma_wait3A_140 : memref<80x128xf32, #tpu.memory_space<vmem_shared>>)
    %dma_wait3A_141 = arith.constant 0 : i32
    %dma_wait3A_142 = tpu.memref_slice %arg14[%add3A_101, %dma_wait3A_141] : memref<10240x128xf32, #tpu.memory_space<vmem_shared>> -> memref<80x128xf32, #tpu.memory_space<vmem_shared>>
    %dma_wait3A_143 = arith.constant 0 : i32
    %dma_wait3A_144 = tpu.memref_slice %arg14[%add3A_101, %dma_wait3A_143] : memref<10240x128xf32, #tpu.memory_space<vmem_shared>> -> memref<80x128xf32, #tpu.memory_space<vmem_shared>>
    tpu.wait_dma2 semaphore(%arg22 : memref<!tpu.dma_semaphore, #tpu.memory_space<semaphore_mem>>) src(%arg12 : memref<80x128xf32, #tpu.memory_space<vmem>>) dst(%dma_wait3A_144 : memref<80x128xf32, #tpu.memory_space<vmem_shared>>)
    %dma_wait3A_145 = arith.constant 0 : i32
    %dma_wait3A_146 = tpu.memref_slice %arg14[%add3A_107, %dma_wait3A_145] : memref<10240x128xf32, #tpu.memory_space<vmem_shared>> -> memref<80x128xf32, #tpu.memory_space<vmem_shared>>
    %dma_wait3A_147 = arith.constant 0 : i32
    %dma_wait3A_148 = tpu.memref_slice %arg14[%add3A_107, %dma_wait3A_147] : memref<10240x128xf32, #tpu.memory_space<vmem_shared>> -> memref<80x128xf32, #tpu.memory_space<vmem_shared>>
    tpu.wait_dma2 semaphore(%arg22 : memref<!tpu.dma_semaphore, #tpu.memory_space<semaphore_mem>>) src(%arg12 : memref<80x128xf32, #tpu.memory_space<vmem>>) dst(%dma_wait3A_148 : memref<80x128xf32, #tpu.memory_space<vmem_shared>>)
    %barrier3A = arith.constant 0 : index
    tpu.barrier barrier_id(%barrier3A)
    %broadcast_in_dim3A_149 = arith.constant 1.000000e+00 : f32
    %broadcast_in_dim3A_150 = vector.broadcast %broadcast_in_dim3A_149 : f32 to vector<16xf32>
    %scan3A_151 = arith.constant 0 : i32
    %scan3A_152 = arith.constant 0 : i32
    %scan3A_153 = arith.constant 41 : i32
    %scan3A_154 = arith.addi %scan3A_152, %scan3A_153 : i32
    %scan3A_155 = arith.constant 1 : i32
    scf.for %scan3A_619 = %scan3A_152 to %scan3A_154 step %scan3A_155  : i32 {
      %and3A_620 = arith.constant 1 : i32
      %and3A_621 = arith.andi %scan3A_619, %and3A_620 : i32
      %mul3A_622 = arith.constant 3 : i32
      %mul3A_623 = arith.muli %mul3A_622, %and3A_621 : i32
      %mul3A_624 = arith.constant 3 : i32
      %mul3A_625 = arith.muli %mul3A_624, %and3A_621 : i32
      %add3A_626 = arith.constant 0 : i32
      %add3A_627 = arith.addi %mul3A_625, %add3A_626 : i32
      %dma_wait3A_628 = arith.constant 0 : i32
      %dma_wait3A_629 = tpu.memref_slice %arg8[%add3A_627, %dma_wait3A_628] : memref<6x80xi32, #tpu.memory_space<vmem>> -> memref<1x80xi32, #tpu.memory_space<vmem>>
      %dma_wait3A_630 = tpu.memref_squeeze %dma_wait3A_629 : memref<1x80xi32, #tpu.memory_space<vmem>> -> memref<80xi32, #tpu.memory_space<vmem>>
      %dma_wait3A_631 = tpu.memref_slice %arg3[%mul3A_2] : memref<320000xi32, #tpu.memory_space<hbm>> -> memref<80xi32, #tpu.memory_space<hbm>>
      %dma_wait3A_632 = arith.constant 0 : i32
      %dma_wait3A_633 = tpu.memref_slice %arg8[%add3A_627, %dma_wait3A_632] : memref<6x80xi32, #tpu.memory_space<vmem>> -> memref<1x80xi32, #tpu.memory_space<vmem>>
      %dma_wait3A_634 = tpu.memref_squeeze %dma_wait3A_633 : memref<1x80xi32, #tpu.memory_space<vmem>> -> memref<80xi32, #tpu.memory_space<vmem>>
      %dma_wait3A_635 = tpu.memref_slice %arg3[%mul3A_2] : memref<320000xi32, #tpu.memory_space<hbm>> -> memref<80xi32, #tpu.memory_space<hbm>>
      tpu.wait_dma2 semaphore(%arg15 : memref<!tpu.dma_semaphore, #tpu.memory_space<semaphore_mem>>) src(%dma_wait3A_635 : memref<80xi32, #tpu.memory_space<hbm>>) dst(%dma_wait3A_634 : memref<80xi32, #tpu.memory_space<vmem>>)
      %mul3A_636 = arith.constant 3 : i32
      %mul3A_637 = arith.muli %mul3A_636, %and3A_621 : i32
      %add3A_638 = arith.constant 0 : i32
      %add3A_639 = arith.addi %mul3A_637, %add3A_638 : i32
      %dma_wait3A_640 = arith.constant 0 : i32
      %dma_wait3A_641 = tpu.memref_slice %arg9[%add3A_639, %dma_wait3A_640] : memref<6x80xi32, #tpu.memory_space<vmem>> -> memref<1x80xi32, #tpu.memory_space<vmem>>
      %dma_wait3A_642 = tpu.memref_squeeze %dma_wait3A_641 : memref<1x80xi32, #tpu.memory_space<vmem>> -> memref<80xi32, #tpu.memory_space<vmem>>
      %dma_wait3A_643 = tpu.memref_slice %arg4[%mul3A_2] : memref<320000xi32, #tpu.memory_space<hbm>> -> memref<80xi32, #tpu.memory_space<hbm>>
      %dma_wait3A_644 = arith.constant 0 : i32
      %dma_wait3A_645 = tpu.memref_slice %arg9[%add3A_639, %dma_wait3A_644] : memref<6x80xi32, #tpu.memory_space<vmem>> -> memref<1x80xi32, #tpu.memory_space<vmem>>
      %dma_wait3A_646 = tpu.memref_squeeze %dma_wait3A_645 : memref<1x80xi32, #tpu.memory_space<vmem>> -> memref<80xi32, #tpu.memory_space<vmem>>
      %dma_wait3A_647 = tpu.memref_slice %arg4[%mul3A_2] : memref<320000xi32, #tpu.memory_space<hbm>> -> memref<80xi32, #tpu.memory_space<hbm>>
      tpu.wait_dma2 semaphore(%arg15 : memref<!tpu.dma_semaphore, #tpu.memory_space<semaphore_mem>>) src(%dma_wait3A_647 : memref<80xi32, #tpu.memory_space<hbm>>) dst(%dma_wait3A_646 : memref<80xi32, #tpu.memory_space<vmem>>)
      %mul3A_648 = arith.constant 3 : i32
      %mul3A_649 = arith.muli %mul3A_648, %and3A_621 : i32
      %add3A_650 = arith.constant 1 : i32
      %add3A_651 = arith.addi %mul3A_649, %add3A_650 : i32
      %dma_wait3A_652 = arith.constant 0 : i32
      %dma_wait3A_653 = tpu.memref_slice %arg8[%add3A_651, %dma_wait3A_652] : memref<6x80xi32, #tpu.memory_space<vmem>> -> memref<1x80xi32, #tpu.memory_space<vmem>>
      %dma_wait3A_654 = tpu.memref_squeeze %dma_wait3A_653 : memref<1x80xi32, #tpu.memory_space<vmem>> -> memref<80xi32, #tpu.memory_space<vmem>>
      %dma_wait3A_655 = tpu.memref_slice %arg3[%mul3A_2] : memref<320000xi32, #tpu.memory_space<hbm>> -> memref<80xi32, #tpu.memory_space<hbm>>
      %dma_wait3A_656 = arith.constant 0 : i32
      %dma_wait3A_657 = tpu.memref_slice %arg8[%add3A_651, %dma_wait3A_656] : memref<6x80xi32, #tpu.memory_space<vmem>> -> memref<1x80xi32, #tpu.memory_space<vmem>>
      %dma_wait3A_658 = tpu.memref_squeeze %dma_wait3A_657 : memref<1x80xi32, #tpu.memory_space<vmem>> -> memref<80xi32, #tpu.memory_space<vmem>>
      %dma_wait3A_659 = tpu.memref_slice %arg3[%mul3A_2] : memref<320000xi32, #tpu.memory_space<hbm>> -> memref<80xi32, #tpu.memory_space<hbm>>
      tpu.wait_dma2 semaphore(%arg15 : memref<!tpu.dma_semaphore, #tpu.memory_space<semaphore_mem>>) src(%dma_wait3A_659 : memref<80xi32, #tpu.memory_space<hbm>>) dst(%dma_wait3A_658 : memref<80xi32, #tpu.memory_space<vmem>>)
      %mul3A_660 = arith.constant 3 : i32
      %mul3A_661 = arith.muli %mul3A_660, %and3A_621 : i32
      %add3A_662 = arith.constant 1 : i32
      %add3A_663 = arith.addi %mul3A_661, %add3A_662 : i32
      %dma_wait3A_664 = arith.constant 0 : i32
      %dma_wait3A_665 = tpu.memref_slice %arg9[%add3A_663, %dma_wait3A_664] : memref<6x80xi32, #tpu.memory_space<vmem>> -> memref<1x80xi32, #tpu.memory_space<vmem>>
      %dma_wait3A_666 = tpu.memref_squeeze %dma_wait3A_665 : memref<1x80xi32, #tpu.memory_space<vmem>> -> memref<80xi32, #tpu.memory_space<vmem>>
      %dma_wait3A_667 = tpu.memref_slice %arg4[%mul3A_2] : memref<320000xi32, #tpu.memory_space<hbm>> -> memref<80xi32, #tpu.memory_space<hbm>>
      %dma_wait3A_668 = arith.constant 0 : i32
      %dma_wait3A_669 = tpu.memref_slice %arg9[%add3A_663, %dma_wait3A_668] : memref<6x80xi32, #tpu.memory_space<vmem>> -> memref<1x80xi32, #tpu.memory_space<vmem>>
      %dma_wait3A_670 = tpu.memref_squeeze %dma_wait3A_669 : memref<1x80xi32, #tpu.memory_space<vmem>> -> memref<80xi32, #tpu.memory_space<vmem>>
      %dma_wait3A_671 = tpu.memref_slice %arg4[%mul3A_2] : memref<320000xi32, #tpu.memory_space<hbm>> -> memref<80xi32, #tpu.memory_space<hbm>>
      tpu.wait_dma2 semaphore(%arg15 : memref<!tpu.dma_semaphore, #tpu.memory_space<semaphore_mem>>) src(%dma_wait3A_671 : memref<80xi32, #tpu.memory_space<hbm>>) dst(%dma_wait3A_670 : memref<80xi32, #tpu.memory_space<vmem>>)
      %mul3A_672 = arith.constant 3 : i32
      %mul3A_673 = arith.muli %mul3A_672, %and3A_621 : i32
      %add3A_674 = arith.constant 2 : i32
      %add3A_675 = arith.addi %mul3A_673, %add3A_674 : i32
      %dma_wait3A_676 = arith.constant 0 : i32
      %dma_wait3A_677 = tpu.memref_slice %arg8[%add3A_675, %dma_wait3A_676] : memref<6x80xi32, #tpu.memory_space<vmem>> -> memref<1x80xi32, #tpu.memory_space<vmem>>
      %dma_wait3A_678 = tpu.memref_squeeze %dma_wait3A_677 : memref<1x80xi32, #tpu.memory_space<vmem>> -> memref<80xi32, #tpu.memory_space<vmem>>
      %dma_wait3A_679 = tpu.memref_slice %arg3[%mul3A_2] : memref<320000xi32, #tpu.memory_space<hbm>> -> memref<80xi32, #tpu.memory_space<hbm>>
      %dma_wait3A_680 = arith.constant 0 : i32
      %dma_wait3A_681 = tpu.memref_slice %arg8[%add3A_675, %dma_wait3A_680] : memref<6x80xi32, #tpu.memory_space<vmem>> -> memref<1x80xi32, #tpu.memory_space<vmem>>
      %dma_wait3A_682 = tpu.memref_squeeze %dma_wait3A_681 : memref<1x80xi32, #tpu.memory_space<vmem>> -> memref<80xi32, #tpu.memory_space<vmem>>
      %dma_wait3A_683 = tpu.memref_slice %arg3[%mul3A_2] : memref<320000xi32, #tpu.memory_space<hbm>> -> memref<80xi32, #tpu.memory_space<hbm>>
      tpu.wait_dma2 semaphore(%arg15 : memref<!tpu.dma_semaphore, #tpu.memory_space<semaphore_mem>>) src(%dma_wait3A_683 : memref<80xi32, #tpu.memory_space<hbm>>) dst(%dma_wait3A_682 : memref<80xi32, #tpu.memory_space<vmem>>)
      %mul3A_684 = arith.constant 3 : i32
      %mul3A_685 = arith.muli %mul3A_684, %and3A_621 : i32
      %add3A_686 = arith.constant 2 : i32
      %add3A_687 = arith.addi %mul3A_685, %add3A_686 : i32
      %dma_wait3A_688 = arith.constant 0 : i32
      %dma_wait3A_689 = tpu.memref_slice %arg9[%add3A_687, %dma_wait3A_688] : memref<6x80xi32, #tpu.memory_space<vmem>> -> memref<1x80xi32, #tpu.memory_space<vmem>>
      %dma_wait3A_690 = tpu.memref_squeeze %dma_wait3A_689 : memref<1x80xi32, #tpu.memory_space<vmem>> -> memref<80xi32, #tpu.memory_space<vmem>>
      %dma_wait3A_691 = tpu.memref_slice %arg4[%mul3A_2] : memref<320000xi32, #tpu.memory_space<hbm>> -> memref<80xi32, #tpu.memory_space<hbm>>
      %dma_wait3A_692 = arith.constant 0 : i32
      %dma_wait3A_693 = tpu.memref_slice %arg9[%add3A_687, %dma_wait3A_692] : memref<6x80xi32, #tpu.memory_space<vmem>> -> memref<1x80xi32, #tpu.memory_space<vmem>>
      %dma_wait3A_694 = tpu.memref_squeeze %dma_wait3A_693 : memref<1x80xi32, #tpu.memory_space<vmem>> -> memref<80xi32, #tpu.memory_space<vmem>>
      %dma_wait3A_695 = tpu.memref_slice %arg4[%mul3A_2] : memref<320000xi32, #tpu.memory_space<hbm>> -> memref<80xi32, #tpu.memory_space<hbm>>
      tpu.wait_dma2 semaphore(%arg15 : memref<!tpu.dma_semaphore, #tpu.memory_space<semaphore_mem>>) src(%dma_wait3A_695 : memref<80xi32, #tpu.memory_space<hbm>>) dst(%dma_wait3A_694 : memref<80xi32, #tpu.memory_space<vmem>>)
      %add3A_696 = arith.constant 1 : i32
      %add3A_697 = arith.addi %scan3A_619, %add3A_696 : i32
      %rem3A = arith.constant 41 : i32
      %rem3A_698 = arith.remsi %add3A_697, %rem3A : i32
      %sub3A = arith.constant 1 : i32
      %sub3A_699 = arith.subi %sub3A, %and3A_621 : i32
      %mul3A_700 = arith.constant 3 : i32
      %mul3A_701 = arith.muli %mul3A_700, %rem3A_698 : i32
      %add3A_702 = arith.constant 0 : i32
      %add3A_703 = arith.addi %mul3A_701, %add3A_702 : i32
      %mul3A_704 = arith.constant 80 : i32
      %mul3A_705 = arith.muli %add3A_703, %mul3A_704 : i32
      %add3A_706 = arith.addi %mul3A_2, %mul3A_705 : i32
      %mul3A_707 = arith.constant 3 : i32
      %mul3A_708 = arith.muli %mul3A_707, %sub3A_699 : i32
      %add3A_709 = arith.constant 0 : i32
      %add3A_710 = arith.addi %mul3A_708, %add3A_709 : i32
      %dma_start3A_711 = arith.constant 0 : i32
      %dma_start3A_712 = tpu.memref_slice %arg8[%add3A_710, %dma_start3A_711] : memref<6x80xi32, #tpu.memory_space<vmem>> -> memref<1x80xi32, #tpu.memory_space<vmem>>
      %dma_start3A_713 = tpu.memref_squeeze %dma_start3A_712 : memref<1x80xi32, #tpu.memory_space<vmem>> -> memref<80xi32, #tpu.memory_space<vmem>>
      %dma_start3A_714 = tpu.memref_slice %arg3[%add3A_706] : memref<320000xi32, #tpu.memory_space<hbm>> -> memref<80xi32, #tpu.memory_space<hbm>>
      %dma_start3A_715 = arith.constant 0 : i32
      %dma_start3A_716 = tpu.memref_slice %arg8[%add3A_710, %dma_start3A_715] : memref<6x80xi32, #tpu.memory_space<vmem>> -> memref<1x80xi32, #tpu.memory_space<vmem>>
      %dma_start3A_717 = tpu.memref_squeeze %dma_start3A_716 : memref<1x80xi32, #tpu.memory_space<vmem>> -> memref<80xi32, #tpu.memory_space<vmem>>
      %dma_start3A_718 = tpu.memref_slice %arg3[%add3A_706] : memref<320000xi32, #tpu.memory_space<hbm>> -> memref<80xi32, #tpu.memory_space<hbm>>
      tpu.enqueue_dma source(%dma_start3A_718 : memref<80xi32, #tpu.memory_space<hbm>>) target(%dma_start3A_717 : memref<80xi32, #tpu.memory_space<vmem>>) target_semaphore(%arg15 : memref<!tpu.dma_semaphore, #tpu.memory_space<semaphore_mem>>)
      %mul3A_719 = arith.constant 3 : i32
      %mul3A_720 = arith.muli %mul3A_719, %sub3A_699 : i32
      %add3A_721 = arith.constant 0 : i32
      %add3A_722 = arith.addi %mul3A_720, %add3A_721 : i32
      %dma_start3A_723 = arith.constant 0 : i32
      %dma_start3A_724 = tpu.memref_slice %arg9[%add3A_722, %dma_start3A_723] : memref<6x80xi32, #tpu.memory_space<vmem>> -> memref<1x80xi32, #tpu.memory_space<vmem>>
      %dma_start3A_725 = tpu.memref_squeeze %dma_start3A_724 : memref<1x80xi32, #tpu.memory_space<vmem>> -> memref<80xi32, #tpu.memory_space<vmem>>
      %dma_start3A_726 = tpu.memref_slice %arg4[%add3A_706] : memref<320000xi32, #tpu.memory_space<hbm>> -> memref<80xi32, #tpu.memory_space<hbm>>
      %dma_start3A_727 = arith.constant 0 : i32
      %dma_start3A_728 = tpu.memref_slice %arg9[%add3A_722, %dma_start3A_727] : memref<6x80xi32, #tpu.memory_space<vmem>> -> memref<1x80xi32, #tpu.memory_space<vmem>>
      %dma_start3A_729 = tpu.memref_squeeze %dma_start3A_728 : memref<1x80xi32, #tpu.memory_space<vmem>> -> memref<80xi32, #tpu.memory_space<vmem>>
      %dma_start3A_730 = tpu.memref_slice %arg4[%add3A_706] : memref<320000xi32, #tpu.memory_space<hbm>> -> memref<80xi32, #tpu.memory_space<hbm>>
      tpu.enqueue_dma source(%dma_start3A_730 : memref<80xi32, #tpu.memory_space<hbm>>) target(%dma_start3A_729 : memref<80xi32, #tpu.memory_space<vmem>>) target_semaphore(%arg15 : memref<!tpu.dma_semaphore, #tpu.memory_space<semaphore_mem>>)
      %mul3A_731 = arith.constant 3 : i32
      %mul3A_732 = arith.muli %mul3A_731, %rem3A_698 : i32
      %add3A_733 = arith.constant 1 : i32
      %add3A_734 = arith.addi %mul3A_732, %add3A_733 : i32
      %mul3A_735 = arith.constant 80 : i32
      %mul3A_736 = arith.muli %add3A_734, %mul3A_735 : i32
      %add3A_737 = arith.addi %mul3A_2, %mul3A_736 : i32
      %mul3A_738 = arith.constant 3 : i32
      %mul3A_739 = arith.muli %mul3A_738, %sub3A_699 : i32
      %add3A_740 = arith.constant 1 : i32
      %add3A_741 = arith.addi %mul3A_739, %add3A_740 : i32
      %dma_start3A_742 = arith.constant 0 : i32
      %dma_start3A_743 = tpu.memref_slice %arg8[%add3A_741, %dma_start3A_742] : memref<6x80xi32, #tpu.memory_space<vmem>> -> memref<1x80xi32, #tpu.memory_space<vmem>>
      %dma_start3A_744 = tpu.memref_squeeze %dma_start3A_743 : memref<1x80xi32, #tpu.memory_space<vmem>> -> memref<80xi32, #tpu.memory_space<vmem>>
      %dma_start3A_745 = tpu.memref_slice %arg3[%add3A_737] : memref<320000xi32, #tpu.memory_space<hbm>> -> memref<80xi32, #tpu.memory_space<hbm>>
      %dma_start3A_746 = arith.constant 0 : i32
      %dma_start3A_747 = tpu.memref_slice %arg8[%add3A_741, %dma_start3A_746] : memref<6x80xi32, #tpu.memory_space<vmem>> -> memref<1x80xi32, #tpu.memory_space<vmem>>
      %dma_start3A_748 = tpu.memref_squeeze %dma_start3A_747 : memref<1x80xi32, #tpu.memory_space<vmem>> -> memref<80xi32, #tpu.memory_space<vmem>>
      %dma_start3A_749 = tpu.memref_slice %arg3[%add3A_737] : memref<320000xi32, #tpu.memory_space<hbm>> -> memref<80xi32, #tpu.memory_space<hbm>>
      tpu.enqueue_dma source(%dma_start3A_749 : memref<80xi32, #tpu.memory_space<hbm>>) target(%dma_start3A_748 : memref<80xi32, #tpu.memory_space<vmem>>) target_semaphore(%arg15 : memref<!tpu.dma_semaphore, #tpu.memory_space<semaphore_mem>>)
      %mul3A_750 = arith.constant 3 : i32
      %mul3A_751 = arith.muli %mul3A_750, %sub3A_699 : i32
      %add3A_752 = arith.constant 1 : i32
      %add3A_753 = arith.addi %mul3A_751, %add3A_752 : i32
      %dma_start3A_754 = arith.constant 0 : i32
      %dma_start3A_755 = tpu.memref_slice %arg9[%add3A_753, %dma_start3A_754] : memref<6x80xi32, #tpu.memory_space<vmem>> -> memref<1x80xi32, #tpu.memory_space<vmem>>
      %dma_start3A_756 = tpu.memref_squeeze %dma_start3A_755 : memref<1x80xi32, #tpu.memory_space<vmem>> -> memref<80xi32, #tpu.memory_space<vmem>>
      %dma_start3A_757 = tpu.memref_slice %arg4[%add3A_737] : memref<320000xi32, #tpu.memory_space<hbm>> -> memref<80xi32, #tpu.memory_space<hbm>>
      %dma_start3A_758 = arith.constant 0 : i32
      %dma_start3A_759 = tpu.memref_slice %arg9[%add3A_753, %dma_start3A_758] : memref<6x80xi32, #tpu.memory_space<vmem>> -> memref<1x80xi32, #tpu.memory_space<vmem>>
      %dma_start3A_760 = tpu.memref_squeeze %dma_start3A_759 : memref<1x80xi32, #tpu.memory_space<vmem>> -> memref<80xi32, #tpu.memory_space<vmem>>
      %dma_start3A_761 = tpu.memref_slice %arg4[%add3A_737] : memref<320000xi32, #tpu.memory_space<hbm>> -> memref<80xi32, #tpu.memory_space<hbm>>
      tpu.enqueue_dma source(%dma_start3A_761 : memref<80xi32, #tpu.memory_space<hbm>>) target(%dma_start3A_760 : memref<80xi32, #tpu.memory_space<vmem>>) target_semaphore(%arg15 : memref<!tpu.dma_semaphore, #tpu.memory_space<semaphore_mem>>)
      %mul3A_762 = arith.constant 3 : i32
      %mul3A_763 = arith.muli %mul3A_762, %rem3A_698 : i32
      %add3A_764 = arith.constant 2 : i32
      %add3A_765 = arith.addi %mul3A_763, %add3A_764 : i32
      %mul3A_766 = arith.constant 80 : i32
      %mul3A_767 = arith.muli %add3A_765, %mul3A_766 : i32
      %add3A_768 = arith.addi %mul3A_2, %mul3A_767 : i32
      %mul3A_769 = arith.constant 3 : i32
      %mul3A_770 = arith.muli %mul3A_769, %sub3A_699 : i32
      %add3A_771 = arith.constant 2 : i32
      %add3A_772 = arith.addi %mul3A_770, %add3A_771 : i32
      %dma_start3A_773 = arith.constant 0 : i32
      %dma_start3A_774 = tpu.memref_slice %arg8[%add3A_772, %dma_start3A_773] : memref<6x80xi32, #tpu.memory_space<vmem>> -> memref<1x80xi32, #tpu.memory_space<vmem>>
      %dma_start3A_775 = tpu.memref_squeeze %dma_start3A_774 : memref<1x80xi32, #tpu.memory_space<vmem>> -> memref<80xi32, #tpu.memory_space<vmem>>
      %dma_start3A_776 = tpu.memref_slice %arg3[%add3A_768] : memref<320000xi32, #tpu.memory_space<hbm>> -> memref<80xi32, #tpu.memory_space<hbm>>
      %dma_start3A_777 = arith.constant 0 : i32
      %dma_start3A_778 = tpu.memref_slice %arg8[%add3A_772, %dma_start3A_777] : memref<6x80xi32, #tpu.memory_space<vmem>> -> memref<1x80xi32, #tpu.memory_space<vmem>>
      %dma_start3A_779 = tpu.memref_squeeze %dma_start3A_778 : memref<1x80xi32, #tpu.memory_space<vmem>> -> memref<80xi32, #tpu.memory_space<vmem>>
      %dma_start3A_780 = tpu.memref_slice %arg3[%add3A_768] : memref<320000xi32, #tpu.memory_space<hbm>> -> memref<80xi32, #tpu.memory_space<hbm>>
      tpu.enqueue_dma source(%dma_start3A_780 : memref<80xi32, #tpu.memory_space<hbm>>) target(%dma_start3A_779 : memref<80xi32, #tpu.memory_space<vmem>>) target_semaphore(%arg15 : memref<!tpu.dma_semaphore, #tpu.memory_space<semaphore_mem>>)
      %mul3A_781 = arith.constant 3 : i32
      %mul3A_782 = arith.muli %mul3A_781, %sub3A_699 : i32
      %add3A_783 = arith.constant 2 : i32
      %add3A_784 = arith.addi %mul3A_782, %add3A_783 : i32
      %dma_start3A_785 = arith.constant 0 : i32
      %dma_start3A_786 = tpu.memref_slice %arg9[%add3A_784, %dma_start3A_785] : memref<6x80xi32, #tpu.memory_space<vmem>> -> memref<1x80xi32, #tpu.memory_space<vmem>>
      %dma_start3A_787 = tpu.memref_squeeze %dma_start3A_786 : memref<1x80xi32, #tpu.memory_space<vmem>> -> memref<80xi32, #tpu.memory_space<vmem>>
      %dma_start3A_788 = tpu.memref_slice %arg4[%add3A_768] : memref<320000xi32, #tpu.memory_space<hbm>> -> memref<80xi32, #tpu.memory_space<hbm>>
      %dma_start3A_789 = arith.constant 0 : i32
      %dma_start3A_790 = tpu.memref_slice %arg9[%add3A_784, %dma_start3A_789] : memref<6x80xi32, #tpu.memory_space<vmem>> -> memref<1x80xi32, #tpu.memory_space<vmem>>
      %dma_start3A_791 = tpu.memref_squeeze %dma_start3A_790 : memref<1x80xi32, #tpu.memory_space<vmem>> -> memref<80xi32, #tpu.memory_space<vmem>>
      %dma_start3A_792 = tpu.memref_slice %arg4[%add3A_768] : memref<320000xi32, #tpu.memory_space<hbm>> -> memref<80xi32, #tpu.memory_space<hbm>>
      tpu.enqueue_dma source(%dma_start3A_792 : memref<80xi32, #tpu.memory_space<hbm>>) target(%dma_start3A_791 : memref<80xi32, #tpu.memory_space<vmem>>) target_semaphore(%arg15 : memref<!tpu.dma_semaphore, #tpu.memory_space<semaphore_mem>>)
      %dma_start3A_793 = arith.constant 0 : i32
      %dma_start3A_794 = tpu.memref_slice %arg8[%mul3A_623, %dma_start3A_793] : memref<6x80xi32, #tpu.memory_space<vmem>> -> memref<1x80xi32, #tpu.memory_space<vmem>>
      %dma_start3A_795 = tpu.memref_squeeze %dma_start3A_794 : memref<1x80xi32, #tpu.memory_space<vmem>> -> memref<80xi32, #tpu.memory_space<vmem>>
      %dma_start3A_796 = arith.constant 0 : i32
      %dma_start3A_797 = arith.constant 0 : i32
      %dma_start3A_798 = tpu.memref_slice %arg2[%dma_start3A_796, %dma_start3A_797] : memref<10000x128xf32, #tpu.memory_space<hbm>> -> memref<10000x128xf32, #tpu.memory_space<hbm>>
      tpu.enqueue_indirect_dma source(%dma_start3A_798 : memref<10000x128xf32, #tpu.memory_space<hbm>>) target(%arg10 : memref<80x128xf32, #tpu.memory_space<vmem>>) offsets(%dma_start3A_795 : memref<80xi32, #tpu.memory_space<vmem>>) semaphore(%arg16 : memref<!tpu.dma_semaphore, #tpu.memory_space<semaphore_mem>>)
      %add3A_799 = arith.constant 1 : i32
      %add3A_800 = arith.addi %mul3A_623, %add3A_799 : i32
      %dma_start3A_801 = arith.constant 0 : i32
      %dma_start3A_802 = tpu.memref_slice %arg8[%add3A_800, %dma_start3A_801] : memref<6x80xi32, #tpu.memory_space<vmem>> -> memref<1x80xi32, #tpu.memory_space<vmem>>
      %dma_start3A_803 = tpu.memref_squeeze %dma_start3A_802 : memref<1x80xi32, #tpu.memory_space<vmem>> -> memref<80xi32, #tpu.memory_space<vmem>>
      %dma_start3A_804 = arith.constant 0 : i32
      %dma_start3A_805 = arith.constant 0 : i32
      %dma_start3A_806 = tpu.memref_slice %arg2[%dma_start3A_804, %dma_start3A_805] : memref<10000x128xf32, #tpu.memory_space<hbm>> -> memref<10000x128xf32, #tpu.memory_space<hbm>>
      tpu.enqueue_indirect_dma source(%dma_start3A_806 : memref<10000x128xf32, #tpu.memory_space<hbm>>) target(%arg11 : memref<80x128xf32, #tpu.memory_space<vmem>>) offsets(%dma_start3A_803 : memref<80xi32, #tpu.memory_space<vmem>>) semaphore(%arg17 : memref<!tpu.dma_semaphore, #tpu.memory_space<semaphore_mem>>)
      %add3A_807 = arith.constant 2 : i32
      %add3A_808 = arith.addi %mul3A_623, %add3A_807 : i32
      %dma_start3A_809 = arith.constant 0 : i32
      %dma_start3A_810 = tpu.memref_slice %arg8[%add3A_808, %dma_start3A_809] : memref<6x80xi32, #tpu.memory_space<vmem>> -> memref<1x80xi32, #tpu.memory_space<vmem>>
      %dma_start3A_811 = tpu.memref_squeeze %dma_start3A_810 : memref<1x80xi32, #tpu.memory_space<vmem>> -> memref<80xi32, #tpu.memory_space<vmem>>
      %dma_start3A_812 = arith.constant 0 : i32
      %dma_start3A_813 = arith.constant 0 : i32
      %dma_start3A_814 = tpu.memref_slice %arg2[%dma_start3A_812, %dma_start3A_813] : memref<10000x128xf32, #tpu.memory_space<hbm>> -> memref<10000x128xf32, #tpu.memory_space<hbm>>
      tpu.enqueue_indirect_dma source(%dma_start3A_814 : memref<10000x128xf32, #tpu.memory_space<hbm>>) target(%arg12 : memref<80x128xf32, #tpu.memory_space<vmem>>) offsets(%dma_start3A_811 : memref<80xi32, #tpu.memory_space<vmem>>) semaphore(%arg18 : memref<!tpu.dma_semaphore, #tpu.memory_space<semaphore_mem>>)
      %dma_wait3A_815 = arith.constant 0 : i32
      %dma_wait3A_816 = tpu.memref_slice %arg8[%mul3A_623, %dma_wait3A_815] : memref<6x80xi32, #tpu.memory_space<vmem>> -> memref<1x80xi32, #tpu.memory_space<vmem>>
      %dma_wait3A_817 = tpu.memref_squeeze %dma_wait3A_816 : memref<1x80xi32, #tpu.memory_space<vmem>> -> memref<80xi32, #tpu.memory_space<vmem>>
      %dma_wait3A_818 = arith.constant 0 : i32
      %dma_wait3A_819 = arith.constant 0 : i32
      %dma_wait3A_820 = tpu.memref_slice %arg2[%dma_wait3A_818, %dma_wait3A_819] : memref<10000x128xf32, #tpu.memory_space<hbm>> -> memref<10000x128xf32, #tpu.memory_space<hbm>>
      tpu.wait_indirect_dma semaphore(%arg16 : memref<!tpu.dma_semaphore, #tpu.memory_space<semaphore_mem>>) src(%dma_wait3A_820 : memref<10000x128xf32, #tpu.memory_space<hbm>>) dst(%arg10 : memref<80x128xf32, #tpu.memory_space<vmem>>)
      %dma_start3A_821 = arith.constant 0 : i32
      %dma_start3A_822 = tpu.memref_slice %arg9[%mul3A_623, %dma_start3A_821] : memref<6x80xi32, #tpu.memory_space<vmem>> -> memref<1x80xi32, #tpu.memory_space<vmem>>
      %dma_start3A_823 = tpu.memref_squeeze %dma_start3A_822 : memref<1x80xi32, #tpu.memory_space<vmem>> -> memref<80xi32, #tpu.memory_space<vmem>>
      %dma_start3A_824 = arith.constant 0 : i32
      %dma_start3A_825 = arith.constant 0 : i32
      %dma_start3A_826 = tpu.memref_slice %arg14[%dma_start3A_824, %dma_start3A_825] : memref<10240x128xf32, #tpu.memory_space<vmem_shared>> -> memref<10240x128xf32, #tpu.memory_space<vmem_shared>>
      tpu.enqueue_indirect_dma source(%arg10 : memref<80x128xf32, #tpu.memory_space<vmem>>) target(%dma_start3A_826 : memref<10240x128xf32, #tpu.memory_space<vmem_shared>>) offsets(%dma_start3A_823 : memref<80xi32, #tpu.memory_space<vmem>>) semaphore(%arg19 : memref<!tpu.dma_semaphore, #tpu.memory_space<semaphore_mem>>) {add = true}
      %get3A_827 = arith.constant 0 : i32
      %get3A_828 = tpu.memref_slice %arg9[%mul3A_623, %get3A_827] : memref<6x80xi32, #tpu.memory_space<vmem>> -> memref<1x80xi32, #tpu.memory_space<vmem>>
      %get3A_829 = tpu.memref_squeeze %get3A_828 : memref<1x80xi32, #tpu.memory_space<vmem>> -> memref<80xi32, #tpu.memory_space<vmem>>
      %get3A_830 = arith.constant 0 : index
      %get3A_831 = tpu.vector_load %get3A_829[%get3A_830] {strides = array<i32>} : memref<80xi32, #tpu.memory_space<vmem>>, vector<16xi32>,
      %shift_right_logical3A_832 = arith.constant 7 : i32
      %shift_right_logical3A_833 = vector.broadcast %shift_right_logical3A_832 : i32 to vector<16xi32>
      %shift_right_logical3A_834 = arith.shrui %get3A_831, %shift_right_logical3A_833 : vector<16xi32>
      %and3A_835 = arith.constant 127 : i32
      %and3A_836 = vector.broadcast %and3A_835 : i32 to vector<16xi32>
      %and3A_837 = arith.andi %get3A_831, %and3A_836 : vector<16xi32>
      tpu.vector_store_idx %arg13[%shift_right_logical3A_834, %and3A_837], %broadcast_in_dim3A_150 {add = true} : memref<80x128xf32, #tpu.memory_space<vmem>>[vector<16xi32>, vector<16xi32>], vector<16xf32>,
      %get3A_838 = arith.constant 0 : i32
      %get3A_839 = tpu.memref_slice %arg9[%mul3A_623, %get3A_838] : memref<6x80xi32, #tpu.memory_space<vmem>> -> memref<1x80xi32, #tpu.memory_space<vmem>>
      %get3A_840 = tpu.memref_squeeze %get3A_839 : memref<1x80xi32, #tpu.memory_space<vmem>> -> memref<80xi32, #tpu.memory_space<vmem>>
      %get3A_841 = arith.constant 16 : index
      %get3A_842 = tpu.vector_load %get3A_840[%get3A_841] {strides = array<i32>} : memref<80xi32, #tpu.memory_space<vmem>>, vector<16xi32>,
      %shift_right_logical3A_843 = arith.constant 7 : i32
      %shift_right_logical3A_844 = vector.broadcast %shift_right_logical3A_843 : i32 to vector<16xi32>
      %shift_right_logical3A_845 = arith.shrui %get3A_842, %shift_right_logical3A_844 : vector<16xi32>
      %and3A_846 = arith.constant 127 : i32
      %and3A_847 = vector.broadcast %and3A_846 : i32 to vector<16xi32>
      %and3A_848 = arith.andi %get3A_842, %and3A_847 : vector<16xi32>
      tpu.vector_store_idx %arg13[%shift_right_logical3A_845, %and3A_848], %broadcast_in_dim3A_150 {add = true} : memref<80x128xf32, #tpu.memory_space<vmem>>[vector<16xi32>, vector<16xi32>], vector<16xf32>,
      %get3A_849 = arith.constant 0 : i32
      %get3A_850 = tpu.memref_slice %arg9[%mul3A_623, %get3A_849] : memref<6x80xi32, #tpu.memory_space<vmem>> -> memref<1x80xi32, #tpu.memory_space<vmem>>
      %get3A_851 = tpu.memref_squeeze %get3A_850 : memref<1x80xi32, #tpu.memory_space<vmem>> -> memref<80xi32, #tpu.memory_space<vmem>>
      %get3A_852 = arith.constant 32 : index
      %get3A_853 = tpu.vector_load %get3A_851[%get3A_852] {strides = array<i32>} : memref<80xi32, #tpu.memory_space<vmem>>, vector<16xi32>,
      %shift_right_logical3A_854 = arith.constant 7 : i32
      %shift_right_logical3A_855 = vector.broadcast %shift_right_logical3A_854 : i32 to vector<16xi32>
      %shift_right_logical3A_856 = arith.shrui %get3A_853, %shift_right_logical3A_855 : vector<16xi32>
      %and3A_857 = arith.constant 127 : i32
      %and3A_858 = vector.broadcast %and3A_857 : i32 to vector<16xi32>
      %and3A_859 = arith.andi %get3A_853, %and3A_858 : vector<16xi32>
      tpu.vector_store_idx %arg13[%shift_right_logical3A_856, %and3A_859], %broadcast_in_dim3A_150 {add = true} : memref<80x128xf32, #tpu.memory_space<vmem>>[vector<16xi32>, vector<16xi32>], vector<16xf32>,
      %get3A_860 = arith.constant 0 : i32
      %get3A_861 = tpu.memref_slice %arg9[%mul3A_623, %get3A_860] : memref<6x80xi32, #tpu.memory_space<vmem>> -> memref<1x80xi32, #tpu.memory_space<vmem>>
      %get3A_862 = tpu.memref_squeeze %get3A_861 : memref<1x80xi32, #tpu.memory_space<vmem>> -> memref<80xi32, #tpu.memory_space<vmem>>
      %get3A_863 = arith.constant 48 : index
      %get3A_864 = tpu.vector_load %get3A_862[%get3A_863] {strides = array<i32>} : memref<80xi32, #tpu.memory_space<vmem>>, vector<16xi32>,
      %shift_right_logical3A_865 = arith.constant 7 : i32
      %shift_right_logical3A_866 = vector.broadcast %shift_right_logical3A_865 : i32 to vector<16xi32>
      %shift_right_logical3A_867 = arith.shrui %get3A_864, %shift_right_logical3A_866 : vector<16xi32>
      %and3A_868 = arith.constant 127 : i32
      %and3A_869 = vector.broadcast %and3A_868 : i32 to vector<16xi32>
      %and3A_870 = arith.andi %get3A_864, %and3A_869 : vector<16xi32>
      tpu.vector_store_idx %arg13[%shift_right_logical3A_867, %and3A_870], %broadcast_in_dim3A_150 {add = true} : memref<80x128xf32, #tpu.memory_space<vmem>>[vector<16xi32>, vector<16xi32>], vector<16xf32>,
      %get3A_871 = arith.constant 0 : i32
      %get3A_872 = tpu.memref_slice %arg9[%mul3A_623, %get3A_871] : memref<6x80xi32, #tpu.memory_space<vmem>> -> memref<1x80xi32, #tpu.memory_space<vmem>>
      %get3A_873 = tpu.memref_squeeze %get3A_872 : memref<1x80xi32, #tpu.memory_space<vmem>> -> memref<80xi32, #tpu.memory_space<vmem>>
      %get3A_874 = arith.constant 64 : index
      %get3A_875 = tpu.vector_load %get3A_873[%get3A_874] {strides = array<i32>} : memref<80xi32, #tpu.memory_space<vmem>>, vector<16xi32>,
      %shift_right_logical3A_876 = arith.constant 7 : i32
      %shift_right_logical3A_877 = vector.broadcast %shift_right_logical3A_876 : i32 to vector<16xi32>
      %shift_right_logical3A_878 = arith.shrui %get3A_875, %shift_right_logical3A_877 : vector<16xi32>
      %and3A_879 = arith.constant 127 : i32
      %and3A_880 = vector.broadcast %and3A_879 : i32 to vector<16xi32>
      %and3A_881 = arith.andi %get3A_875, %and3A_880 : vector<16xi32>
      tpu.vector_store_idx %arg13[%shift_right_logical3A_878, %and3A_881], %broadcast_in_dim3A_150 {add = true} : memref<80x128xf32, #tpu.memory_space<vmem>>[vector<16xi32>, vector<16xi32>], vector<16xf32>,
      %dma_wait3A_882 = arith.constant 0 : i32
      %dma_wait3A_883 = tpu.memref_slice %arg8[%add3A_800, %dma_wait3A_882] : memref<6x80xi32, #tpu.memory_space<vmem>> -> memref<1x80xi32, #tpu.memory_space<vmem>>
      %dma_wait3A_884 = tpu.memref_squeeze %dma_wait3A_883 : memref<1x80xi32, #tpu.memory_space<vmem>> -> memref<80xi32, #tpu.memory_space<vmem>>
      %dma_wait3A_885 = arith.constant 0 : i32
      %dma_wait3A_886 = arith.constant 0 : i32
      %dma_wait3A_887 = tpu.memref_slice %arg2[%dma_wait3A_885, %dma_wait3A_886] : memref<10000x128xf32, #tpu.memory_space<hbm>> -> memref<10000x128xf32, #tpu.memory_space<hbm>>
      tpu.wait_indirect_dma semaphore(%arg17 : memref<!tpu.dma_semaphore, #tpu.memory_space<semaphore_mem>>) src(%dma_wait3A_887 : memref<10000x128xf32, #tpu.memory_space<hbm>>) dst(%arg11 : memref<80x128xf32, #tpu.memory_space<vmem>>)
      %add3A_888 = arith.constant 1 : i32
      %add3A_889 = arith.addi %mul3A_623, %add3A_888 : i32
      %dma_start3A_890 = arith.constant 0 : i32
      %dma_start3A_891 = tpu.memref_slice %arg9[%add3A_889, %dma_start3A_890] : memref<6x80xi32, #tpu.memory_space<vmem>> -> memref<1x80xi32, #tpu.memory_space<vmem>>
      %dma_start3A_892 = tpu.memref_squeeze %dma_start3A_891 : memref<1x80xi32, #tpu.memory_space<vmem>> -> memref<80xi32, #tpu.memory_space<vmem>>
      %dma_start3A_893 = arith.constant 0 : i32
      %dma_start3A_894 = arith.constant 0 : i32
      %dma_start3A_895 = tpu.memref_slice %arg14[%dma_start3A_893, %dma_start3A_894] : memref<10240x128xf32, #tpu.memory_space<vmem_shared>> -> memref<10240x128xf32, #tpu.memory_space<vmem_shared>>
      tpu.enqueue_indirect_dma source(%arg11 : memref<80x128xf32, #tpu.memory_space<vmem>>) target(%dma_start3A_895 : memref<10240x128xf32, #tpu.memory_space<vmem_shared>>) offsets(%dma_start3A_892 : memref<80xi32, #tpu.memory_space<vmem>>) semaphore(%arg20 : memref<!tpu.dma_semaphore, #tpu.memory_space<semaphore_mem>>) {add = true}
      %add3A_896 = arith.constant 1 : i32
      %add3A_897 = arith.addi %mul3A_623, %add3A_896 : i32
      %get3A_898 = arith.constant 0 : i32
      %get3A_899 = tpu.memref_slice %arg9[%add3A_897, %get3A_898] : memref<6x80xi32, #tpu.memory_space<vmem>> -> memref<1x80xi32, #tpu.memory_space<vmem>>
      %get3A_900 = tpu.memref_squeeze %get3A_899 : memref<1x80xi32, #tpu.memory_space<vmem>> -> memref<80xi32, #tpu.memory_space<vmem>>
      %get3A_901 = arith.constant 0 : index
      %get3A_902 = tpu.vector_load %get3A_900[%get3A_901] {strides = array<i32>} : memref<80xi32, #tpu.memory_space<vmem>>, vector<16xi32>,
      %shift_right_logical3A_903 = arith.constant 7 : i32
      %shift_right_logical3A_904 = vector.broadcast %shift_right_logical3A_903 : i32 to vector<16xi32>
      %shift_right_logical3A_905 = arith.shrui %get3A_902, %shift_right_logical3A_904 : vector<16xi32>
      %and3A_906 = arith.constant 127 : i32
      %and3A_907 = vector.broadcast %and3A_906 : i32 to vector<16xi32>
      %and3A_908 = arith.andi %get3A_902, %and3A_907 : vector<16xi32>
      tpu.vector_store_idx %arg13[%shift_right_logical3A_905, %and3A_908], %broadcast_in_dim3A_150 {add = true} : memref<80x128xf32, #tpu.memory_space<vmem>>[vector<16xi32>, vector<16xi32>], vector<16xf32>,
      %get3A_909 = arith.constant 0 : i32
      %get3A_910 = tpu.memref_slice %arg9[%add3A_897, %get3A_909] : memref<6x80xi32, #tpu.memory_space<vmem>> -> memref<1x80xi32, #tpu.memory_space<vmem>>
      %get3A_911 = tpu.memref_squeeze %get3A_910 : memref<1x80xi32, #tpu.memory_space<vmem>> -> memref<80xi32, #tpu.memory_space<vmem>>
      %get3A_912 = arith.constant 16 : index
      %get3A_913 = tpu.vector_load %get3A_911[%get3A_912] {strides = array<i32>} : memref<80xi32, #tpu.memory_space<vmem>>, vector<16xi32>,
      %shift_right_logical3A_914 = arith.constant 7 : i32
      %shift_right_logical3A_915 = vector.broadcast %shift_right_logical3A_914 : i32 to vector<16xi32>
      %shift_right_logical3A_916 = arith.shrui %get3A_913, %shift_right_logical3A_915 : vector<16xi32>
      %and3A_917 = arith.constant 127 : i32
      %and3A_918 = vector.broadcast %and3A_917 : i32 to vector<16xi32>
      %and3A_919 = arith.andi %get3A_913, %and3A_918 : vector<16xi32>
      tpu.vector_store_idx %arg13[%shift_right_logical3A_916, %and3A_919], %broadcast_in_dim3A_150 {add = true} : memref<80x128xf32, #tpu.memory_space<vmem>>[vector<16xi32>, vector<16xi32>], vector<16xf32>,
      %get3A_920 = arith.constant 0 : i32
      %get3A_921 = tpu.memref_slice %arg9[%add3A_897, %get3A_920] : memref<6x80xi32, #tpu.memory_space<vmem>> -> memref<1x80xi32, #tpu.memory_space<vmem>>
      %get3A_922 = tpu.memref_squeeze %get3A_921 : memref<1x80xi32, #tpu.memory_space<vmem>> -> memref<80xi32, #tpu.memory_space<vmem>>
      %get3A_923 = arith.constant 32 : index
      %get3A_924 = tpu.vector_load %get3A_922[%get3A_923] {strides = array<i32>} : memref<80xi32, #tpu.memory_space<vmem>>, vector<16xi32>,
      %shift_right_logical3A_925 = arith.constant 7 : i32
      %shift_right_logical3A_926 = vector.broadcast %shift_right_logical3A_925 : i32 to vector<16xi32>
      %shift_right_logical3A_927 = arith.shrui %get3A_924, %shift_right_logical3A_926 : vector<16xi32>
      %and3A_928 = arith.constant 127 : i32
      %and3A_929 = vector.broadcast %and3A_928 : i32 to vector<16xi32>
      %and3A_930 = arith.andi %get3A_924, %and3A_929 : vector<16xi32>
      tpu.vector_store_idx %arg13[%shift_right_logical3A_927, %and3A_930], %broadcast_in_dim3A_150 {add = true} : memref<80x128xf32, #tpu.memory_space<vmem>>[vector<16xi32>, vector<16xi32>], vector<16xf32>,
      %get3A_931 = arith.constant 0 : i32
      %get3A_932 = tpu.memref_slice %arg9[%add3A_897, %get3A_931] : memref<6x80xi32, #tpu.memory_space<vmem>> -> memref<1x80xi32, #tpu.memory_space<vmem>>
      %get3A_933 = tpu.memref_squeeze %get3A_932 : memref<1x80xi32, #tpu.memory_space<vmem>> -> memref<80xi32, #tpu.memory_space<vmem>>
      %get3A_934 = arith.constant 48 : index
      %get3A_935 = tpu.vector_load %get3A_933[%get3A_934] {strides = array<i32>} : memref<80xi32, #tpu.memory_space<vmem>>, vector<16xi32>,
      %shift_right_logical3A_936 = arith.constant 7 : i32
      %shift_right_logical3A_937 = vector.broadcast %shift_right_logical3A_936 : i32 to vector<16xi32>
      %shift_right_logical3A_938 = arith.shrui %get3A_935, %shift_right_logical3A_937 : vector<16xi32>
      %and3A_939 = arith.constant 127 : i32
      %and3A_940 = vector.broadcast %and3A_939 : i32 to vector<16xi32>
      %and3A_941 = arith.andi %get3A_935, %and3A_940 : vector<16xi32>
      tpu.vector_store_idx %arg13[%shift_right_logical3A_938, %and3A_941], %broadcast_in_dim3A_150 {add = true} : memref<80x128xf32, #tpu.memory_space<vmem>>[vector<16xi32>, vector<16xi32>], vector<16xf32>,
      %get3A_942 = arith.constant 0 : i32
      %get3A_943 = tpu.memref_slice %arg9[%add3A_897, %get3A_942] : memref<6x80xi32, #tpu.memory_space<vmem>> -> memref<1x80xi32, #tpu.memory_space<vmem>>
      %get3A_944 = tpu.memref_squeeze %get3A_943 : memref<1x80xi32, #tpu.memory_space<vmem>> -> memref<80xi32, #tpu.memory_space<vmem>>
      %get3A_945 = arith.constant 64 : index
      %get3A_946 = tpu.vector_load %get3A_944[%get3A_945] {strides = array<i32>} : memref<80xi32, #tpu.memory_space<vmem>>, vector<16xi32>,
      %shift_right_logical3A_947 = arith.constant 7 : i32
      %shift_right_logical3A_948 = vector.broadcast %shift_right_logical3A_947 : i32 to vector<16xi32>
      %shift_right_logical3A_949 = arith.shrui %get3A_946, %shift_right_logical3A_948 : vector<16xi32>
      %and3A_950 = arith.constant 127 : i32
      %and3A_951 = vector.broadcast %and3A_950 : i32 to vector<16xi32>
      %and3A_952 = arith.andi %get3A_946, %and3A_951 : vector<16xi32>
      tpu.vector_store_idx %arg13[%shift_right_logical3A_949, %and3A_952], %broadcast_in_dim3A_150 {add = true} : memref<80x128xf32, #tpu.memory_space<vmem>>[vector<16xi32>, vector<16xi32>], vector<16xf32>,
      %dma_wait3A_953 = arith.constant 0 : i32
      %dma_wait3A_954 = tpu.memref_slice %arg8[%add3A_808, %dma_wait3A_953] : memref<6x80xi32, #tpu.memory_space<vmem>> -> memref<1x80xi32, #tpu.memory_space<vmem>>
      %dma_wait3A_955 = tpu.memref_squeeze %dma_wait3A_954 : memref<1x80xi32, #tpu.memory_space<vmem>> -> memref<80xi32, #tpu.memory_space<vmem>>
      %dma_wait3A_956 = arith.constant 0 : i32
      %dma_wait3A_957 = arith.constant 0 : i32
      %dma_wait3A_958 = tpu.memref_slice %arg2[%dma_wait3A_956, %dma_wait3A_957] : memref<10000x128xf32, #tpu.memory_space<hbm>> -> memref<10000x128xf32, #tpu.memory_space<hbm>>
      tpu.wait_indirect_dma semaphore(%arg18 : memref<!tpu.dma_semaphore, #tpu.memory_space<semaphore_mem>>) src(%dma_wait3A_958 : memref<10000x128xf32, #tpu.memory_space<hbm>>) dst(%arg12 : memref<80x128xf32, #tpu.memory_space<vmem>>)
      %add3A_959 = arith.constant 2 : i32
      %add3A_960 = arith.addi %mul3A_623, %add3A_959 : i32
      %dma_start3A_961 = arith.constant 0 : i32
      %dma_start3A_962 = tpu.memref_slice %arg9[%add3A_960, %dma_start3A_961] : memref<6x80xi32, #tpu.memory_space<vmem>> -> memref<1x80xi32, #tpu.memory_space<vmem>>
      %dma_start3A_963 = tpu.memref_squeeze %dma_start3A_962 : memref<1x80xi32, #tpu.memory_space<vmem>> -> memref<80xi32, #tpu.memory_space<vmem>>
      %dma_start3A_964 = arith.constant 0 : i32
      %dma_start3A_965 = arith.constant 0 : i32
      %dma_start3A_966 = tpu.memref_slice %arg14[%dma_start3A_964, %dma_start3A_965] : memref<10240x128xf32, #tpu.memory_space<vmem_shared>> -> memref<10240x128xf32, #tpu.memory_space<vmem_shared>>
      tpu.enqueue_indirect_dma source(%arg12 : memref<80x128xf32, #tpu.memory_space<vmem>>) target(%dma_start3A_966 : memref<10240x128xf32, #tpu.memory_space<vmem_shared>>) offsets(%dma_start3A_963 : memref<80xi32, #tpu.memory_space<vmem>>) semaphore(%arg21 : memref<!tpu.dma_semaphore, #tpu.memory_space<semaphore_mem>>) {add = true}
      %add3A_967 = arith.constant 2 : i32
      %add3A_968 = arith.addi %mul3A_623, %add3A_967 : i32
      %get3A_969 = arith.constant 0 : i32
      %get3A_970 = tpu.memref_slice %arg9[%add3A_968, %get3A_969] : memref<6x80xi32, #tpu.memory_space<vmem>> -> memref<1x80xi32, #tpu.memory_space<vmem>>
      %get3A_971 = tpu.memref_squeeze %get3A_970 : memref<1x80xi32, #tpu.memory_space<vmem>> -> memref<80xi32, #tpu.memory_space<vmem>>
      %get3A_972 = arith.constant 0 : index
      %get3A_973 = tpu.vector_load %get3A_971[%get3A_972] {strides = array<i32>} : memref<80xi32, #tpu.memory_space<vmem>>, vector<16xi32>,
      %shift_right_logical3A_974 = arith.constant 7 : i32
      %shift_right_logical3A_975 = vector.broadcast %shift_right_logical3A_974 : i32 to vector<16xi32>
      %shift_right_logical3A_976 = arith.shrui %get3A_973, %shift_right_logical3A_975 : vector<16xi32>
      %and3A_977 = arith.constant 127 : i32
      %and3A_978 = vector.broadcast %and3A_977 : i32 to vector<16xi32>
      %and3A_979 = arith.andi %get3A_973, %and3A_978 : vector<16xi32>
      tpu.vector_store_idx %arg13[%shift_right_logical3A_976, %and3A_979], %broadcast_in_dim3A_150 {add = true} : memref<80x128xf32, #tpu.memory_space<vmem>>[vector<16xi32>, vector<16xi32>], vector<16xf32>,
      %get3A_980 = arith.constant 0 : i32
      %get3A_981 = tpu.memref_slice %arg9[%add3A_968, %get3A_980] : memref<6x80xi32, #tpu.memory_space<vmem>> -> memref<1x80xi32, #tpu.memory_space<vmem>>
      %get3A_982 = tpu.memref_squeeze %get3A_981 : memref<1x80xi32, #tpu.memory_space<vmem>> -> memref<80xi32, #tpu.memory_space<vmem>>
      %get3A_983 = arith.constant 16 : index
      %get3A_984 = tpu.vector_load %get3A_982[%get3A_983] {strides = array<i32>} : memref<80xi32, #tpu.memory_space<vmem>>, vector<16xi32>,
      %shift_right_logical3A_985 = arith.constant 7 : i32
      %shift_right_logical3A_986 = vector.broadcast %shift_right_logical3A_985 : i32 to vector<16xi32>
      %shift_right_logical3A_987 = arith.shrui %get3A_984, %shift_right_logical3A_986 : vector<16xi32>
      %and3A_988 = arith.constant 127 : i32
      %and3A_989 = vector.broadcast %and3A_988 : i32 to vector<16xi32>
      %and3A_990 = arith.andi %get3A_984, %and3A_989 : vector<16xi32>
      tpu.vector_store_idx %arg13[%shift_right_logical3A_987, %and3A_990], %broadcast_in_dim3A_150 {add = true} : memref<80x128xf32, #tpu.memory_space<vmem>>[vector<16xi32>, vector<16xi32>], vector<16xf32>,
      %get3A_991 = arith.constant 0 : i32
      %get3A_992 = tpu.memref_slice %arg9[%add3A_968, %get3A_991] : memref<6x80xi32, #tpu.memory_space<vmem>> -> memref<1x80xi32, #tpu.memory_space<vmem>>
      %get3A_993 = tpu.memref_squeeze %get3A_992 : memref<1x80xi32, #tpu.memory_space<vmem>> -> memref<80xi32, #tpu.memory_space<vmem>>
      %get3A_994 = arith.constant 32 : index
      %get3A_995 = tpu.vector_load %get3A_993[%get3A_994] {strides = array<i32>} : memref<80xi32, #tpu.memory_space<vmem>>, vector<16xi32>,
      %shift_right_logical3A_996 = arith.constant 7 : i32
      %shift_right_logical3A_997 = vector.broadcast %shift_right_logical3A_996 : i32 to vector<16xi32>
      %shift_right_logical3A_998 = arith.shrui %get3A_995, %shift_right_logical3A_997 : vector<16xi32>
      %and3A_999 = arith.constant 127 : i32
      %and3A_1000 = vector.broadcast %and3A_999 : i32 to vector<16xi32>
      %and3A_1001 = arith.andi %get3A_995, %and3A_1000 : vector<16xi32>
      tpu.vector_store_idx %arg13[%shift_right_logical3A_998, %and3A_1001], %broadcast_in_dim3A_150 {add = true} : memref<80x128xf32, #tpu.memory_space<vmem>>[vector<16xi32>, vector<16xi32>], vector<16xf32>,
      %get3A_1002 = arith.constant 0 : i32
      %get3A_1003 = tpu.memref_slice %arg9[%add3A_968, %get3A_1002] : memref<6x80xi32, #tpu.memory_space<vmem>> -> memref<1x80xi32, #tpu.memory_space<vmem>>
      %get3A_1004 = tpu.memref_squeeze %get3A_1003 : memref<1x80xi32, #tpu.memory_space<vmem>> -> memref<80xi32, #tpu.memory_space<vmem>>
      %get3A_1005 = arith.constant 48 : index
      %get3A_1006 = tpu.vector_load %get3A_1004[%get3A_1005] {strides = array<i32>} : memref<80xi32, #tpu.memory_space<vmem>>, vector<16xi32>,
      %shift_right_logical3A_1007 = arith.constant 7 : i32
      %shift_right_logical3A_1008 = vector.broadcast %shift_right_logical3A_1007 : i32 to vector<16xi32>
      %shift_right_logical3A_1009 = arith.shrui %get3A_1006, %shift_right_logical3A_1008 : vector<16xi32>
      %and3A_1010 = arith.constant 127 : i32
      %and3A_1011 = vector.broadcast %and3A_1010 : i32 to vector<16xi32>
      %and3A_1012 = arith.andi %get3A_1006, %and3A_1011 : vector<16xi32>
      tpu.vector_store_idx %arg13[%shift_right_logical3A_1009, %and3A_1012], %broadcast_in_dim3A_150 {add = true} : memref<80x128xf32, #tpu.memory_space<vmem>>[vector<16xi32>, vector<16xi32>], vector<16xf32>,
      %get3A_1013 = arith.constant 0 : i32
      %get3A_1014 = tpu.memref_slice %arg9[%add3A_968, %get3A_1013] : memref<6x80xi32, #tpu.memory_space<vmem>> -> memref<1x80xi32, #tpu.memory_space<vmem>>
      %get3A_1015 = tpu.memref_squeeze %get3A_1014 : memref<1x80xi32, #tpu.memory_space<vmem>> -> memref<80xi32, #tpu.memory_space<vmem>>
      %get3A_1016 = arith.constant 64 : index
      %get3A_1017 = tpu.vector_load %get3A_1015[%get3A_1016] {strides = array<i32>} : memref<80xi32, #tpu.memory_space<vmem>>, vector<16xi32>,
      %shift_right_logical3A_1018 = arith.constant 7 : i32
      %shift_right_logical3A_1019 = vector.broadcast %shift_right_logical3A_1018 : i32 to vector<16xi32>
      %shift_right_logical3A_1020 = arith.shrui %get3A_1017, %shift_right_logical3A_1019 : vector<16xi32>
      %and3A_1021 = arith.constant 127 : i32
      %and3A_1022 = vector.broadcast %and3A_1021 : i32 to vector<16xi32>
      %and3A_1023 = arith.andi %get3A_1017, %and3A_1022 : vector<16xi32>
      tpu.vector_store_idx %arg13[%shift_right_logical3A_1020, %and3A_1023], %broadcast_in_dim3A_150 {add = true} : memref<80x128xf32, #tpu.memory_space<vmem>>[vector<16xi32>, vector<16xi32>], vector<16xf32>,
      %dma_wait3A_1024 = arith.constant 0 : i32
      %dma_wait3A_1025 = tpu.memref_slice %arg9[%mul3A_623, %dma_wait3A_1024] : memref<6x80xi32, #tpu.memory_space<vmem>> -> memref<1x80xi32, #tpu.memory_space<vmem>>
      %dma_wait3A_1026 = tpu.memref_squeeze %dma_wait3A_1025 : memref<1x80xi32, #tpu.memory_space<vmem>> -> memref<80xi32, #tpu.memory_space<vmem>>
      %dma_wait3A_1027 = arith.constant 0 : i32
      %dma_wait3A_1028 = arith.constant 0 : i32
      %dma_wait3A_1029 = tpu.memref_slice %arg14[%dma_wait3A_1027, %dma_wait3A_1028] : memref<10240x128xf32, #tpu.memory_space<vmem_shared>> -> memref<10240x128xf32, #tpu.memory_space<vmem_shared>>
      tpu.wait_indirect_dma semaphore(%arg19 : memref<!tpu.dma_semaphore, #tpu.memory_space<semaphore_mem>>) src(%arg10 : memref<80x128xf32, #tpu.memory_space<vmem>>) dst(%dma_wait3A_1029 : memref<10240x128xf32, #tpu.memory_space<vmem_shared>>)
      %dma_wait3A_1030 = arith.constant 0 : i32
      %dma_wait3A_1031 = tpu.memref_slice %arg9[%add3A_889, %dma_wait3A_1030] : memref<6x80xi32, #tpu.memory_space<vmem>> -> memref<1x80xi32, #tpu.memory_space<vmem>>
      %dma_wait3A_1032 = tpu.memref_squeeze %dma_wait3A_1031 : memref<1x80xi32, #tpu.memory_space<vmem>> -> memref<80xi32, #tpu.memory_space<vmem>>
      %dma_wait3A_1033 = arith.constant 0 : i32
      %dma_wait3A_1034 = arith.constant 0 : i32
      %dma_wait3A_1035 = tpu.memref_slice %arg14[%dma_wait3A_1033, %dma_wait3A_1034] : memref<10240x128xf32, #tpu.memory_space<vmem_shared>> -> memref<10240x128xf32, #tpu.memory_space<vmem_shared>>
      tpu.wait_indirect_dma semaphore(%arg20 : memref<!tpu.dma_semaphore, #tpu.memory_space<semaphore_mem>>) src(%arg11 : memref<80x128xf32, #tpu.memory_space<vmem>>) dst(%dma_wait3A_1035 : memref<10240x128xf32, #tpu.memory_space<vmem_shared>>)
      %dma_wait3A_1036 = arith.constant 0 : i32
      %dma_wait3A_1037 = tpu.memref_slice %arg9[%add3A_960, %dma_wait3A_1036] : memref<6x80xi32, #tpu.memory_space<vmem>> -> memref<1x80xi32, #tpu.memory_space<vmem>>
      %dma_wait3A_1038 = tpu.memref_squeeze %dma_wait3A_1037 : memref<1x80xi32, #tpu.memory_space<vmem>> -> memref<80xi32, #tpu.memory_space<vmem>>
      %dma_wait3A_1039 = arith.constant 0 : i32
      %dma_wait3A_1040 = arith.constant 0 : i32
      %dma_wait3A_1041 = tpu.memref_slice %arg14[%dma_wait3A_1039, %dma_wait3A_1040] : memref<10240x128xf32, #tpu.memory_space<vmem_shared>> -> memref<10240x128xf32, #tpu.memory_space<vmem_shared>>
      tpu.wait_indirect_dma semaphore(%arg21 : memref<!tpu.dma_semaphore, #tpu.memory_space<semaphore_mem>>) src(%arg12 : memref<80x128xf32, #tpu.memory_space<vmem>>) dst(%dma_wait3A_1041 : memref<10240x128xf32, #tpu.memory_space<vmem_shared>>)
    }
    %scan3A_156 = arith.constant 41 : i32
    %and3A = arith.constant 41 : i32
    %and3A_157 = arith.constant 1 : i32
    %and3A_158 = arith.andi %and3A, %and3A_157 : i32
    %mul3A_159 = arith.constant 3 : i32
    %mul3A_160 = arith.muli %mul3A_159, %and3A_158 : i32
    %add3A_161 = arith.constant 0 : i32
    %add3A_162 = arith.addi %mul3A_160, %add3A_161 : i32
    %dma_wait3A_163 = arith.constant 0 : i32
    %dma_wait3A_164 = tpu.memref_slice %arg8[%add3A_162, %dma_wait3A_163] : memref<6x80xi32, #tpu.memory_space<vmem>> -> memref<1x80xi32, #tpu.memory_space<vmem>>
    %dma_wait3A_165 = tpu.memref_squeeze %dma_wait3A_164 : memref<1x80xi32, #tpu.memory_space<vmem>> -> memref<80xi32, #tpu.memory_space<vmem>>
    %dma_wait3A_166 = tpu.memref_slice %arg3[%mul3A_2] : memref<320000xi32, #tpu.memory_space<hbm>> -> memref<80xi32, #tpu.memory_space<hbm>>
    %dma_wait3A_167 = arith.constant 0 : i32
    %dma_wait3A_168 = tpu.memref_slice %arg8[%add3A_162, %dma_wait3A_167] : memref<6x80xi32, #tpu.memory_space<vmem>> -> memref<1x80xi32, #tpu.memory_space<vmem>>
    %dma_wait3A_169 = tpu.memref_squeeze %dma_wait3A_168 : memref<1x80xi32, #tpu.memory_space<vmem>> -> memref<80xi32, #tpu.memory_space<vmem>>
    %dma_wait3A_170 = tpu.memref_slice %arg3[%mul3A_2] : memref<320000xi32, #tpu.memory_space<hbm>> -> memref<80xi32, #tpu.memory_space<hbm>>
    tpu.wait_dma2 semaphore(%arg15 : memref<!tpu.dma_semaphore, #tpu.memory_space<semaphore_mem>>) src(%dma_wait3A_170 : memref<80xi32, #tpu.memory_space<hbm>>) dst(%dma_wait3A_169 : memref<80xi32, #tpu.memory_space<vmem>>)
    %mul3A_171 = arith.constant 3 : i32
    %mul3A_172 = arith.muli %mul3A_171, %and3A_158 : i32
    %add3A_173 = arith.constant 0 : i32
    %add3A_174 = arith.addi %mul3A_172, %add3A_173 : i32
    %dma_wait3A_175 = arith.constant 0 : i32
    %dma_wait3A_176 = tpu.memref_slice %arg9[%add3A_174, %dma_wait3A_175] : memref<6x80xi32, #tpu.memory_space<vmem>> -> memref<1x80xi32, #tpu.memory_space<vmem>>
    %dma_wait3A_177 = tpu.memref_squeeze %dma_wait3A_176 : memref<1x80xi32, #tpu.memory_space<vmem>> -> memref<80xi32, #tpu.memory_space<vmem>>
    %dma_wait3A_178 = tpu.memref_slice %arg4[%mul3A_2] : memref<320000xi32, #tpu.memory_space<hbm>> -> memref<80xi32, #tpu.memory_space<hbm>>
    %dma_wait3A_179 = arith.constant 0 : i32
    %dma_wait3A_180 = tpu.memref_slice %arg9[%add3A_174, %dma_wait3A_179] : memref<6x80xi32, #tpu.memory_space<vmem>> -> memref<1x80xi32, #tpu.memory_space<vmem>>
    %dma_wait3A_181 = tpu.memref_squeeze %dma_wait3A_180 : memref<1x80xi32, #tpu.memory_space<vmem>> -> memref<80xi32, #tpu.memory_space<vmem>>
    %dma_wait3A_182 = tpu.memref_slice %arg4[%mul3A_2] : memref<320000xi32, #tpu.memory_space<hbm>> -> memref<80xi32, #tpu.memory_space<hbm>>
    tpu.wait_dma2 semaphore(%arg15 : memref<!tpu.dma_semaphore, #tpu.memory_space<semaphore_mem>>) src(%dma_wait3A_182 : memref<80xi32, #tpu.memory_space<hbm>>) dst(%dma_wait3A_181 : memref<80xi32, #tpu.memory_space<vmem>>)
    %mul3A_183 = arith.constant 3 : i32
    %mul3A_184 = arith.muli %mul3A_183, %and3A_158 : i32
    %add3A_185 = arith.constant 1 : i32
    %add3A_186 = arith.addi %mul3A_184, %add3A_185 : i32
    %dma_wait3A_187 = arith.constant 0 : i32
    %dma_wait3A_188 = tpu.memref_slice %arg8[%add3A_186, %dma_wait3A_187] : memref<6x80xi32, #tpu.memory_space<vmem>> -> memref<1x80xi32, #tpu.memory_space<vmem>>
    %dma_wait3A_189 = tpu.memref_squeeze %dma_wait3A_188 : memref<1x80xi32, #tpu.memory_space<vmem>> -> memref<80xi32, #tpu.memory_space<vmem>>
    %dma_wait3A_190 = tpu.memref_slice %arg3[%mul3A_2] : memref<320000xi32, #tpu.memory_space<hbm>> -> memref<80xi32, #tpu.memory_space<hbm>>
    %dma_wait3A_191 = arith.constant 0 : i32
    %dma_wait3A_192 = tpu.memref_slice %arg8[%add3A_186, %dma_wait3A_191] : memref<6x80xi32, #tpu.memory_space<vmem>> -> memref<1x80xi32, #tpu.memory_space<vmem>>
    %dma_wait3A_193 = tpu.memref_squeeze %dma_wait3A_192 : memref<1x80xi32, #tpu.memory_space<vmem>> -> memref<80xi32, #tpu.memory_space<vmem>>
    %dma_wait3A_194 = tpu.memref_slice %arg3[%mul3A_2] : memref<320000xi32, #tpu.memory_space<hbm>> -> memref<80xi32, #tpu.memory_space<hbm>>
    tpu.wait_dma2 semaphore(%arg15 : memref<!tpu.dma_semaphore, #tpu.memory_space<semaphore_mem>>) src(%dma_wait3A_194 : memref<80xi32, #tpu.memory_space<hbm>>) dst(%dma_wait3A_193 : memref<80xi32, #tpu.memory_space<vmem>>)
    %mul3A_195 = arith.constant 3 : i32
    %mul3A_196 = arith.muli %mul3A_195, %and3A_158 : i32
    %add3A_197 = arith.constant 1 : i32
    %add3A_198 = arith.addi %mul3A_196, %add3A_197 : i32
    %dma_wait3A_199 = arith.constant 0 : i32
    %dma_wait3A_200 = tpu.memref_slice %arg9[%add3A_198, %dma_wait3A_199] : memref<6x80xi32, #tpu.memory_space<vmem>> -> memref<1x80xi32, #tpu.memory_space<vmem>>
    %dma_wait3A_201 = tpu.memref_squeeze %dma_wait3A_200 : memref<1x80xi32, #tpu.memory_space<vmem>> -> memref<80xi32, #tpu.memory_space<vmem>>
    %dma_wait3A_202 = tpu.memref_slice %arg4[%mul3A_2] : memref<320000xi32, #tpu.memory_space<hbm>> -> memref<80xi32, #tpu.memory_space<hbm>>
    %dma_wait3A_203 = arith.constant 0 : i32
    %dma_wait3A_204 = tpu.memref_slice %arg9[%add3A_198, %dma_wait3A_203] : memref<6x80xi32, #tpu.memory_space<vmem>> -> memref<1x80xi32, #tpu.memory_space<vmem>>
    %dma_wait3A_205 = tpu.memref_squeeze %dma_wait3A_204 : memref<1x80xi32, #tpu.memory_space<vmem>> -> memref<80xi32, #tpu.memory_space<vmem>>
    %dma_wait3A_206 = tpu.memref_slice %arg4[%mul3A_2] : memref<320000xi32, #tpu.memory_space<hbm>> -> memref<80xi32, #tpu.memory_space<hbm>>
    tpu.wait_dma2 semaphore(%arg15 : memref<!tpu.dma_semaphore, #tpu.memory_space<semaphore_mem>>) src(%dma_wait3A_206 : memref<80xi32, #tpu.memory_space<hbm>>) dst(%dma_wait3A_205 : memref<80xi32, #tpu.memory_space<vmem>>)
    %mul3A_207 = arith.constant 3 : i32
    %mul3A_208 = arith.muli %mul3A_207, %and3A_158 : i32
    %add3A_209 = arith.constant 2 : i32
    %add3A_210 = arith.addi %mul3A_208, %add3A_209 : i32
    %dma_wait3A_211 = arith.constant 0 : i32
    %dma_wait3A_212 = tpu.memref_slice %arg8[%add3A_210, %dma_wait3A_211] : memref<6x80xi32, #tpu.memory_space<vmem>> -> memref<1x80xi32, #tpu.memory_space<vmem>>
    %dma_wait3A_213 = tpu.memref_squeeze %dma_wait3A_212 : memref<1x80xi32, #tpu.memory_space<vmem>> -> memref<80xi32, #tpu.memory_space<vmem>>
    %dma_wait3A_214 = tpu.memref_slice %arg3[%mul3A_2] : memref<320000xi32, #tpu.memory_space<hbm>> -> memref<80xi32, #tpu.memory_space<hbm>>
    %dma_wait3A_215 = arith.constant 0 : i32
    %dma_wait3A_216 = tpu.memref_slice %arg8[%add3A_210, %dma_wait3A_215] : memref<6x80xi32, #tpu.memory_space<vmem>> -> memref<1x80xi32, #tpu.memory_space<vmem>>
    %dma_wait3A_217 = tpu.memref_squeeze %dma_wait3A_216 : memref<1x80xi32, #tpu.memory_space<vmem>> -> memref<80xi32, #tpu.memory_space<vmem>>
    %dma_wait3A_218 = tpu.memref_slice %arg3[%mul3A_2] : memref<320000xi32, #tpu.memory_space<hbm>> -> memref<80xi32, #tpu.memory_space<hbm>>
    tpu.wait_dma2 semaphore(%arg15 : memref<!tpu.dma_semaphore, #tpu.memory_space<semaphore_mem>>) src(%dma_wait3A_218 : memref<80xi32, #tpu.memory_space<hbm>>) dst(%dma_wait3A_217 : memref<80xi32, #tpu.memory_space<vmem>>)
    %mul3A_219 = arith.constant 3 : i32
    %mul3A_220 = arith.muli %mul3A_219, %and3A_158 : i32
    %add3A_221 = arith.constant 2 : i32
    %add3A_222 = arith.addi %mul3A_220, %add3A_221 : i32
    %dma_wait3A_223 = arith.constant 0 : i32
    %dma_wait3A_224 = tpu.memref_slice %arg9[%add3A_222, %dma_wait3A_223] : memref<6x80xi32, #tpu.memory_space<vmem>> -> memref<1x80xi32, #tpu.memory_space<vmem>>
    %dma_wait3A_225 = tpu.memref_squeeze %dma_wait3A_224 : memref<1x80xi32, #tpu.memory_space<vmem>> -> memref<80xi32, #tpu.memory_space<vmem>>
    %dma_wait3A_226 = tpu.memref_slice %arg4[%mul3A_2] : memref<320000xi32, #tpu.memory_space<hbm>> -> memref<80xi32, #tpu.memory_space<hbm>>
    %dma_wait3A_227 = arith.constant 0 : i32
    %dma_wait3A_228 = tpu.memref_slice %arg9[%add3A_222, %dma_wait3A_227] : memref<6x80xi32, #tpu.memory_space<vmem>> -> memref<1x80xi32, #tpu.memory_space<vmem>>
    %dma_wait3A_229 = tpu.memref_squeeze %dma_wait3A_228 : memref<1x80xi32, #tpu.memory_space<vmem>> -> memref<80xi32, #tpu.memory_space<vmem>>
    %dma_wait3A_230 = tpu.memref_slice %arg4[%mul3A_2] : memref<320000xi32, #tpu.memory_space<hbm>> -> memref<80xi32, #tpu.memory_space<hbm>>
    tpu.wait_dma2 semaphore(%arg15 : memref<!tpu.dma_semaphore, #tpu.memory_space<semaphore_mem>>) src(%dma_wait3A_230 : memref<80xi32, #tpu.memory_space<hbm>>) dst(%dma_wait3A_229 : memref<80xi32, #tpu.memory_space<vmem>>)
    %add3A_231 = arith.constant 9840 : i32
    %add3A_232 = arith.addi %mul3A_2, %add3A_231 : i32
    %add3A_233 = arith.constant 80 : i32
    %add3A_234 = arith.addi %add3A_232, %add3A_233 : i32
    %run_scoped3A = arith.constant 0 : i32
    "tpu.region"() ({
      %run_scoped3A_619 = tpu.sem_alloc : memref<!tpu.dma_semaphore, #tpu.memory_space<semaphore_mem>>
      %dma_start3A_620 = arith.constant 0 : i32
      %dma_start3A_621 = tpu.memref_slice %arg8[%run_scoped3A, %dma_start3A_620] : memref<6x80xi32, #tpu.memory_space<vmem>> -> memref<1x80xi32, #tpu.memory_space<vmem>>
      %dma_start3A_622 = tpu.memref_squeeze %dma_start3A_621 : memref<1x80xi32, #tpu.memory_space<vmem>> -> memref<80xi32, #tpu.memory_space<vmem>>
      %dma_start3A_623 = tpu.memref_slice %arg3[%add3A_232] : memref<320000xi32, #tpu.memory_space<hbm>> -> memref<80xi32, #tpu.memory_space<hbm>>
      %dma_start3A_624 = arith.constant 0 : i32
      %dma_start3A_625 = tpu.memref_slice %arg8[%run_scoped3A, %dma_start3A_624] : memref<6x80xi32, #tpu.memory_space<vmem>> -> memref<1x80xi32, #tpu.memory_space<vmem>>
      %dma_start3A_626 = tpu.memref_squeeze %dma_start3A_625 : memref<1x80xi32, #tpu.memory_space<vmem>> -> memref<80xi32, #tpu.memory_space<vmem>>
      %dma_start3A_627 = tpu.memref_slice %arg3[%add3A_232] : memref<320000xi32, #tpu.memory_space<hbm>> -> memref<80xi32, #tpu.memory_space<hbm>>
      tpu.enqueue_dma source(%dma_start3A_627 : memref<80xi32, #tpu.memory_space<hbm>>) target(%dma_start3A_626 : memref<80xi32, #tpu.memory_space<vmem>>) target_semaphore(%run_scoped3A_619 : memref<!tpu.dma_semaphore, #tpu.memory_space<semaphore_mem>>)
      %dma_wait3A_628 = arith.constant 0 : i32
      %dma_wait3A_629 = tpu.memref_slice %arg8[%run_scoped3A, %dma_wait3A_628] : memref<6x80xi32, #tpu.memory_space<vmem>> -> memref<1x80xi32, #tpu.memory_space<vmem>>
      %dma_wait3A_630 = tpu.memref_squeeze %dma_wait3A_629 : memref<1x80xi32, #tpu.memory_space<vmem>> -> memref<80xi32, #tpu.memory_space<vmem>>
      %dma_wait3A_631 = tpu.memref_slice %arg3[%add3A_232] : memref<320000xi32, #tpu.memory_space<hbm>> -> memref<80xi32, #tpu.memory_space<hbm>>
      %dma_wait3A_632 = arith.constant 0 : i32
      %dma_wait3A_633 = tpu.memref_slice %arg8[%run_scoped3A, %dma_wait3A_632] : memref<6x80xi32, #tpu.memory_space<vmem>> -> memref<1x80xi32, #tpu.memory_space<vmem>>
      %dma_wait3A_634 = tpu.memref_squeeze %dma_wait3A_633 : memref<1x80xi32, #tpu.memory_space<vmem>> -> memref<80xi32, #tpu.memory_space<vmem>>
      %dma_wait3A_635 = tpu.memref_slice %arg3[%add3A_232] : memref<320000xi32, #tpu.memory_space<hbm>> -> memref<80xi32, #tpu.memory_space<hbm>>
      tpu.wait_dma2 semaphore(%run_scoped3A_619 : memref<!tpu.dma_semaphore, #tpu.memory_space<semaphore_mem>>) src(%dma_wait3A_635 : memref<80xi32, #tpu.memory_space<hbm>>) dst(%dma_wait3A_634 : memref<80xi32, #tpu.memory_space<vmem>>)
      tpu.yield
    }) : () -> ()
    %run_scoped3A_235 = arith.constant 0 : i32
    "tpu.region"() ({
      %run_scoped3A_619 = tpu.sem_alloc : memref<!tpu.dma_semaphore, #tpu.memory_space<semaphore_mem>>
      %dma_start3A_620 = arith.constant 0 : i32
      %dma_start3A_621 = tpu.memref_slice %arg9[%run_scoped3A_235, %dma_start3A_620] : memref<6x80xi32, #tpu.memory_space<vmem>> -> memref<1x80xi32, #tpu.memory_space<vmem>>
      %dma_start3A_622 = tpu.memref_squeeze %dma_start3A_621 : memref<1x80xi32, #tpu.memory_space<vmem>> -> memref<80xi32, #tpu.memory_space<vmem>>
      %dma_start3A_623 = tpu.memref_slice %arg4[%add3A_232] : memref<320000xi32, #tpu.memory_space<hbm>> -> memref<80xi32, #tpu.memory_space<hbm>>
      %dma_start3A_624 = arith.constant 0 : i32
      %dma_start3A_625 = tpu.memref_slice %arg9[%run_scoped3A_235, %dma_start3A_624] : memref<6x80xi32, #tpu.memory_space<vmem>> -> memref<1x80xi32, #tpu.memory_space<vmem>>
      %dma_start3A_626 = tpu.memref_squeeze %dma_start3A_625 : memref<1x80xi32, #tpu.memory_space<vmem>> -> memref<80xi32, #tpu.memory_space<vmem>>
      %dma_start3A_627 = tpu.memref_slice %arg4[%add3A_232] : memref<320000xi32, #tpu.memory_space<hbm>> -> memref<80xi32, #tpu.memory_space<hbm>>
      tpu.enqueue_dma source(%dma_start3A_627 : memref<80xi32, #tpu.memory_space<hbm>>) target(%dma_start3A_626 : memref<80xi32, #tpu.memory_space<vmem>>) target_semaphore(%run_scoped3A_619 : memref<!tpu.dma_semaphore, #tpu.memory_space<semaphore_mem>>)
      %dma_wait3A_628 = arith.constant 0 : i32
      %dma_wait3A_629 = tpu.memref_slice %arg9[%run_scoped3A_235, %dma_wait3A_628] : memref<6x80xi32, #tpu.memory_space<vmem>> -> memref<1x80xi32, #tpu.memory_space<vmem>>
      %dma_wait3A_630 = tpu.memref_squeeze %dma_wait3A_629 : memref<1x80xi32, #tpu.memory_space<vmem>> -> memref<80xi32, #tpu.memory_space<vmem>>
      %dma_wait3A_631 = tpu.memref_slice %arg4[%add3A_232] : memref<320000xi32, #tpu.memory_space<hbm>> -> memref<80xi32, #tpu.memory_space<hbm>>
      %dma_wait3A_632 = arith.constant 0 : i32
      %dma_wait3A_633 = tpu.memref_slice %arg9[%run_scoped3A_235, %dma_wait3A_632] : memref<6x80xi32, #tpu.memory_space<vmem>> -> memref<1x80xi32, #tpu.memory_space<vmem>>
      %dma_wait3A_634 = tpu.memref_squeeze %dma_wait3A_633 : memref<1x80xi32, #tpu.memory_space<vmem>> -> memref<80xi32, #tpu.memory_space<vmem>>
      %dma_wait3A_635 = tpu.memref_slice %arg4[%add3A_232] : memref<320000xi32, #tpu.memory_space<hbm>> -> memref<80xi32, #tpu.memory_space<hbm>>
      tpu.wait_dma2 semaphore(%run_scoped3A_619 : memref<!tpu.dma_semaphore, #tpu.memory_space<semaphore_mem>>) src(%dma_wait3A_635 : memref<80xi32, #tpu.memory_space<hbm>>) dst(%dma_wait3A_634 : memref<80xi32, #tpu.memory_space<vmem>>)
      tpu.yield
    }) : () -> ()
    %run_scoped3A_236 = arith.constant 1 : i32
    "tpu.region"() ({
      %run_scoped3A_619 = tpu.sem_alloc : memref<!tpu.dma_semaphore, #tpu.memory_space<semaphore_mem>>
      %dma_start3A_620 = arith.constant 0 : i32
      %dma_start3A_621 = tpu.memref_slice %arg8[%run_scoped3A_236, %dma_start3A_620] : memref<6x80xi32, #tpu.memory_space<vmem>> -> memref<1x80xi32, #tpu.memory_space<vmem>>
      %dma_start3A_622 = tpu.memref_squeeze %dma_start3A_621 : memref<1x80xi32, #tpu.memory_space<vmem>> -> memref<80xi32, #tpu.memory_space<vmem>>
      %dma_start3A_623 = tpu.memref_slice %arg3[%add3A_234] : memref<320000xi32, #tpu.memory_space<hbm>> -> memref<80xi32, #tpu.memory_space<hbm>>
      %dma_start3A_624 = arith.constant 0 : i32
      %dma_start3A_625 = tpu.memref_slice %arg8[%run_scoped3A_236, %dma_start3A_624] : memref<6x80xi32, #tpu.memory_space<vmem>> -> memref<1x80xi32, #tpu.memory_space<vmem>>
      %dma_start3A_626 = tpu.memref_squeeze %dma_start3A_625 : memref<1x80xi32, #tpu.memory_space<vmem>> -> memref<80xi32, #tpu.memory_space<vmem>>
      %dma_start3A_627 = tpu.memref_slice %arg3[%add3A_234] : memref<320000xi32, #tpu.memory_space<hbm>> -> memref<80xi32, #tpu.memory_space<hbm>>
      tpu.enqueue_dma source(%dma_start3A_627 : memref<80xi32, #tpu.memory_space<hbm>>) target(%dma_start3A_626 : memref<80xi32, #tpu.memory_space<vmem>>) target_semaphore(%run_scoped3A_619 : memref<!tpu.dma_semaphore, #tpu.memory_space<semaphore_mem>>)
      %dma_wait3A_628 = arith.constant 0 : i32
      %dma_wait3A_629 = tpu.memref_slice %arg8[%run_scoped3A_236, %dma_wait3A_628] : memref<6x80xi32, #tpu.memory_space<vmem>> -> memref<1x80xi32, #tpu.memory_space<vmem>>
      %dma_wait3A_630 = tpu.memref_squeeze %dma_wait3A_629 : memref<1x80xi32, #tpu.memory_space<vmem>> -> memref<80xi32, #tpu.memory_space<vmem>>
      %dma_wait3A_631 = tpu.memref_slice %arg3[%add3A_234] : memref<320000xi32, #tpu.memory_space<hbm>> -> memref<80xi32, #tpu.memory_space<hbm>>
      %dma_wait3A_632 = arith.constant 0 : i32
      %dma_wait3A_633 = tpu.memref_slice %arg8[%run_scoped3A_236, %dma_wait3A_632] : memref<6x80xi32, #tpu.memory_space<vmem>> -> memref<1x80xi32, #tpu.memory_space<vmem>>
      %dma_wait3A_634 = tpu.memref_squeeze %dma_wait3A_633 : memref<1x80xi32, #tpu.memory_space<vmem>> -> memref<80xi32, #tpu.memory_space<vmem>>
      %dma_wait3A_635 = tpu.memref_slice %arg3[%add3A_234] : memref<320000xi32, #tpu.memory_space<hbm>> -> memref<80xi32, #tpu.memory_space<hbm>>
      tpu.wait_dma2 semaphore(%run_scoped3A_619 : memref<!tpu.dma_semaphore, #tpu.memory_space<semaphore_mem>>) src(%dma_wait3A_635 : memref<80xi32, #tpu.memory_space<hbm>>) dst(%dma_wait3A_634 : memref<80xi32, #tpu.memory_space<vmem>>)
      tpu.yield
    }) : () -> ()
    %run_scoped3A_237 = arith.constant 1 : i32
    "tpu.region"() ({
      %run_scoped3A_619 = tpu.sem_alloc : memref<!tpu.dma_semaphore, #tpu.memory_space<semaphore_mem>>
      %dma_start3A_620 = arith.constant 0 : i32
      %dma_start3A_621 = tpu.memref_slice %arg9[%run_scoped3A_237, %dma_start3A_620] : memref<6x80xi32, #tpu.memory_space<vmem>> -> memref<1x80xi32, #tpu.memory_space<vmem>>
      %dma_start3A_622 = tpu.memref_squeeze %dma_start3A_621 : memref<1x80xi32, #tpu.memory_space<vmem>> -> memref<80xi32, #tpu.memory_space<vmem>>
      %dma_start3A_623 = tpu.memref_slice %arg4[%add3A_234] : memref<320000xi32, #tpu.memory_space<hbm>> -> memref<80xi32, #tpu.memory_space<hbm>>
      %dma_start3A_624 = arith.constant 0 : i32
      %dma_start3A_625 = tpu.memref_slice %arg9[%run_scoped3A_237, %dma_start3A_624] : memref<6x80xi32, #tpu.memory_space<vmem>> -> memref<1x80xi32, #tpu.memory_space<vmem>>
      %dma_start3A_626 = tpu.memref_squeeze %dma_start3A_625 : memref<1x80xi32, #tpu.memory_space<vmem>> -> memref<80xi32, #tpu.memory_space<vmem>>
      %dma_start3A_627 = tpu.memref_slice %arg4[%add3A_234] : memref<320000xi32, #tpu.memory_space<hbm>> -> memref<80xi32, #tpu.memory_space<hbm>>
      tpu.enqueue_dma source(%dma_start3A_627 : memref<80xi32, #tpu.memory_space<hbm>>) target(%dma_start3A_626 : memref<80xi32, #tpu.memory_space<vmem>>) target_semaphore(%run_scoped3A_619 : memref<!tpu.dma_semaphore, #tpu.memory_space<semaphore_mem>>)
      %dma_wait3A_628 = arith.constant 0 : i32
      %dma_wait3A_629 = tpu.memref_slice %arg9[%run_scoped3A_237, %dma_wait3A_628] : memref<6x80xi32, #tpu.memory_space<vmem>> -> memref<1x80xi32, #tpu.memory_space<vmem>>
      %dma_wait3A_630 = tpu.memref_squeeze %dma_wait3A_629 : memref<1x80xi32, #tpu.memory_space<vmem>> -> memref<80xi32, #tpu.memory_space<vmem>>
      %dma_wait3A_631 = tpu.memref_slice %arg4[%add3A_234] : memref<320000xi32, #tpu.memory_space<hbm>> -> memref<80xi32, #tpu.memory_space<hbm>>
      %dma_wait3A_632 = arith.constant 0 : i32
      %dma_wait3A_633 = tpu.memref_slice %arg9[%run_scoped3A_237, %dma_wait3A_632] : memref<6x80xi32, #tpu.memory_space<vmem>> -> memref<1x80xi32, #tpu.memory_space<vmem>>
      %dma_wait3A_634 = tpu.memref_squeeze %dma_wait3A_633 : memref<1x80xi32, #tpu.memory_space<vmem>> -> memref<80xi32, #tpu.memory_space<vmem>>
      %dma_wait3A_635 = tpu.memref_slice %arg4[%add3A_234] : memref<320000xi32, #tpu.memory_space<hbm>> -> memref<80xi32, #tpu.memory_space<hbm>>
      tpu.wait_dma2 semaphore(%run_scoped3A_619 : memref<!tpu.dma_semaphore, #tpu.memory_space<semaphore_mem>>) src(%dma_wait3A_635 : memref<80xi32, #tpu.memory_space<hbm>>) dst(%dma_wait3A_634 : memref<80xi32, #tpu.memory_space<vmem>>)
      tpu.yield
    }) : () -> ()
    %dma_start3A_238 = arith.constant 0 : i32
    %dma_start3A_239 = arith.constant 0 : i32
    %dma_start3A_240 = tpu.memref_slice %arg8[%dma_start3A_238, %dma_start3A_239] : memref<6x80xi32, #tpu.memory_space<vmem>> -> memref<1x80xi32, #tpu.memory_space<vmem>>
    %dma_start3A_241 = tpu.memref_squeeze %dma_start3A_240 : memref<1x80xi32, #tpu.memory_space<vmem>> -> memref<80xi32, #tpu.memory_space<vmem>>
    %dma_start3A_242 = arith.constant 0 : i32
    %dma_start3A_243 = arith.constant 0 : i32
    %dma_start3A_244 = tpu.memref_slice %arg2[%dma_start3A_242, %dma_start3A_243] : memref<10000x128xf32, #tpu.memory_space<hbm>> -> memref<10000x128xf32, #tpu.memory_space<hbm>>
    tpu.enqueue_indirect_dma source(%dma_start3A_244 : memref<10000x128xf32, #tpu.memory_space<hbm>>) target(%arg10 : memref<80x128xf32, #tpu.memory_space<vmem>>) offsets(%dma_start3A_241 : memref<80xi32, #tpu.memory_space<vmem>>) semaphore(%arg16 : memref<!tpu.dma_semaphore, #tpu.memory_space<semaphore_mem>>)
    %dma_start3A_245 = arith.constant 1 : i32
    %dma_start3A_246 = arith.constant 0 : i32
    %dma_start3A_247 = tpu.memref_slice %arg8[%dma_start3A_245, %dma_start3A_246] : memref<6x80xi32, #tpu.memory_space<vmem>> -> memref<1x80xi32, #tpu.memory_space<vmem>>
    %dma_start3A_248 = tpu.memref_squeeze %dma_start3A_247 : memref<1x80xi32, #tpu.memory_space<vmem>> -> memref<80xi32, #tpu.memory_space<vmem>>
    %dma_start3A_249 = arith.constant 0 : i32
    %dma_start3A_250 = arith.constant 0 : i32
    %dma_start3A_251 = tpu.memref_slice %arg2[%dma_start3A_249, %dma_start3A_250] : memref<10000x128xf32, #tpu.memory_space<hbm>> -> memref<10000x128xf32, #tpu.memory_space<hbm>>
    tpu.enqueue_indirect_dma source(%dma_start3A_251 : memref<10000x128xf32, #tpu.memory_space<hbm>>) target(%arg11 : memref<80x128xf32, #tpu.memory_space<vmem>>) offsets(%dma_start3A_248 : memref<80xi32, #tpu.memory_space<vmem>>) semaphore(%arg17 : memref<!tpu.dma_semaphore, #tpu.memory_space<semaphore_mem>>)
    %dma_wait3A_252 = arith.constant 0 : i32
    %dma_wait3A_253 = arith.constant 0 : i32
    %dma_wait3A_254 = tpu.memref_slice %arg8[%dma_wait3A_252, %dma_wait3A_253] : memref<6x80xi32, #tpu.memory_space<vmem>> -> memref<1x80xi32, #tpu.memory_space<vmem>>
    %dma_wait3A_255 = tpu.memref_squeeze %dma_wait3A_254 : memref<1x80xi32, #tpu.memory_space<vmem>> -> memref<80xi32, #tpu.memory_space<vmem>>
    %dma_wait3A_256 = arith.constant 0 : i32
    %dma_wait3A_257 = arith.constant 0 : i32
    %dma_wait3A_258 = tpu.memref_slice %arg2[%dma_wait3A_256, %dma_wait3A_257] : memref<10000x128xf32, #tpu.memory_space<hbm>> -> memref<10000x128xf32, #tpu.memory_space<hbm>>
    tpu.wait_indirect_dma semaphore(%arg16 : memref<!tpu.dma_semaphore, #tpu.memory_space<semaphore_mem>>) src(%dma_wait3A_258 : memref<10000x128xf32, #tpu.memory_space<hbm>>) dst(%arg10 : memref<80x128xf32, #tpu.memory_space<vmem>>)
    %dma_start3A_259 = arith.constant 0 : i32
    %dma_start3A_260 = arith.constant 0 : i32
    %dma_start3A_261 = tpu.memref_slice %arg9[%dma_start3A_259, %dma_start3A_260] : memref<6x80xi32, #tpu.memory_space<vmem>> -> memref<1x80xi32, #tpu.memory_space<vmem>>
    %dma_start3A_262 = tpu.memref_squeeze %dma_start3A_261 : memref<1x80xi32, #tpu.memory_space<vmem>> -> memref<80xi32, #tpu.memory_space<vmem>>
    %dma_start3A_263 = arith.constant 0 : i32
    %dma_start3A_264 = arith.constant 0 : i32
    %dma_start3A_265 = tpu.memref_slice %arg14[%dma_start3A_263, %dma_start3A_264] : memref<10240x128xf32, #tpu.memory_space<vmem_shared>> -> memref<10240x128xf32, #tpu.memory_space<vmem_shared>>
    tpu.enqueue_indirect_dma source(%arg10 : memref<80x128xf32, #tpu.memory_space<vmem>>) target(%dma_start3A_265 : memref<10240x128xf32, #tpu.memory_space<vmem_shared>>) offsets(%dma_start3A_262 : memref<80xi32, #tpu.memory_space<vmem>>) semaphore(%arg19 : memref<!tpu.dma_semaphore, #tpu.memory_space<semaphore_mem>>) {add = true}
    %get3A = arith.constant 0 : i32
    %get3A_266 = arith.constant 0 : i32
    %get3A_267 = tpu.memref_slice %arg9[%get3A, %get3A_266] : memref<6x80xi32, #tpu.memory_space<vmem>> -> memref<1x80xi32, #tpu.memory_space<vmem>>
    %get3A_268 = tpu.memref_squeeze %get3A_267 : memref<1x80xi32, #tpu.memory_space<vmem>> -> memref<80xi32, #tpu.memory_space<vmem>>
    %get3A_269 = arith.constant 0 : index
    %get3A_270 = tpu.vector_load %get3A_268[%get3A_269] {strides = array<i32>} : memref<80xi32, #tpu.memory_space<vmem>>, vector<16xi32>,
    %shift_right_logical3A = arith.constant 7 : i32
    %shift_right_logical3A_271 = vector.broadcast %shift_right_logical3A : i32 to vector<16xi32>
    %shift_right_logical3A_272 = arith.shrui %get3A_270, %shift_right_logical3A_271 : vector<16xi32>
    %and3A_273 = arith.constant 127 : i32
    %and3A_274 = vector.broadcast %and3A_273 : i32 to vector<16xi32>
    %and3A_275 = arith.andi %get3A_270, %and3A_274 : vector<16xi32>
    tpu.vector_store_idx %arg13[%shift_right_logical3A_272, %and3A_275], %broadcast_in_dim3A_150 {add = true} : memref<80x128xf32, #tpu.memory_space<vmem>>[vector<16xi32>, vector<16xi32>], vector<16xf32>,
    %get3A_276 = arith.constant 0 : i32
    %get3A_277 = arith.constant 0 : i32
    %get3A_278 = tpu.memref_slice %arg9[%get3A_276, %get3A_277] : memref<6x80xi32, #tpu.memory_space<vmem>> -> memref<1x80xi32, #tpu.memory_space<vmem>>
    %get3A_279 = tpu.memref_squeeze %get3A_278 : memref<1x80xi32, #tpu.memory_space<vmem>> -> memref<80xi32, #tpu.memory_space<vmem>>
    %get3A_280 = arith.constant 16 : index
    %get3A_281 = tpu.vector_load %get3A_279[%get3A_280] {strides = array<i32>} : memref<80xi32, #tpu.memory_space<vmem>>, vector<16xi32>,
    %shift_right_logical3A_282 = arith.constant 7 : i32
    %shift_right_logical3A_283 = vector.broadcast %shift_right_logical3A_282 : i32 to vector<16xi32>
    %shift_right_logical3A_284 = arith.shrui %get3A_281, %shift_right_logical3A_283 : vector<16xi32>
    %and3A_285 = arith.constant 127 : i32
    %and3A_286 = vector.broadcast %and3A_285 : i32 to vector<16xi32>
    %and3A_287 = arith.andi %get3A_281, %and3A_286 : vector<16xi32>
    tpu.vector_store_idx %arg13[%shift_right_logical3A_284, %and3A_287], %broadcast_in_dim3A_150 {add = true} : memref<80x128xf32, #tpu.memory_space<vmem>>[vector<16xi32>, vector<16xi32>], vector<16xf32>,
    %get3A_288 = arith.constant 0 : i32
    %get3A_289 = arith.constant 0 : i32
    %get3A_290 = tpu.memref_slice %arg9[%get3A_288, %get3A_289] : memref<6x80xi32, #tpu.memory_space<vmem>> -> memref<1x80xi32, #tpu.memory_space<vmem>>
    %get3A_291 = tpu.memref_squeeze %get3A_290 : memref<1x80xi32, #tpu.memory_space<vmem>> -> memref<80xi32, #tpu.memory_space<vmem>>
    %get3A_292 = arith.constant 32 : index
    %get3A_293 = tpu.vector_load %get3A_291[%get3A_292] {strides = array<i32>} : memref<80xi32, #tpu.memory_space<vmem>>, vector<16xi32>,
    %shift_right_logical3A_294 = arith.constant 7 : i32
    %shift_right_logical3A_295 = vector.broadcast %shift_right_logical3A_294 : i32 to vector<16xi32>
    %shift_right_logical3A_296 = arith.shrui %get3A_293, %shift_right_logical3A_295 : vector<16xi32>
    %and3A_297 = arith.constant 127 : i32
    %and3A_298 = vector.broadcast %and3A_297 : i32 to vector<16xi32>
    %and3A_299 = arith.andi %get3A_293, %and3A_298 : vector<16xi32>
    tpu.vector_store_idx %arg13[%shift_right_logical3A_296, %and3A_299], %broadcast_in_dim3A_150 {add = true} : memref<80x128xf32, #tpu.memory_space<vmem>>[vector<16xi32>, vector<16xi32>], vector<16xf32>,
    %get3A_300 = arith.constant 0 : i32
    %get3A_301 = arith.constant 0 : i32
    %get3A_302 = tpu.memref_slice %arg9[%get3A_300, %get3A_301] : memref<6x80xi32, #tpu.memory_space<vmem>> -> memref<1x80xi32, #tpu.memory_space<vmem>>
    %get3A_303 = tpu.memref_squeeze %get3A_302 : memref<1x80xi32, #tpu.memory_space<vmem>> -> memref<80xi32, #tpu.memory_space<vmem>>
    %get3A_304 = arith.constant 48 : index
    %get3A_305 = tpu.vector_load %get3A_303[%get3A_304] {strides = array<i32>} : memref<80xi32, #tpu.memory_space<vmem>>, vector<16xi32>,
    %shift_right_logical3A_306 = arith.constant 7 : i32
    %shift_right_logical3A_307 = vector.broadcast %shift_right_logical3A_306 : i32 to vector<16xi32>
    %shift_right_logical3A_308 = arith.shrui %get3A_305, %shift_right_logical3A_307 : vector<16xi32>
    %and3A_309 = arith.constant 127 : i32
    %and3A_310 = vector.broadcast %and3A_309 : i32 to vector<16xi32>
    %and3A_311 = arith.andi %get3A_305, %and3A_310 : vector<16xi32>
    tpu.vector_store_idx %arg13[%shift_right_logical3A_308, %and3A_311], %broadcast_in_dim3A_150 {add = true} : memref<80x128xf32, #tpu.memory_space<vmem>>[vector<16xi32>, vector<16xi32>], vector<16xf32>,
    %get3A_312 = arith.constant 0 : i32
    %get3A_313 = arith.constant 0 : i32
    %get3A_314 = tpu.memref_slice %arg9[%get3A_312, %get3A_313] : memref<6x80xi32, #tpu.memory_space<vmem>> -> memref<1x80xi32, #tpu.memory_space<vmem>>
    %get3A_315 = tpu.memref_squeeze %get3A_314 : memref<1x80xi32, #tpu.memory_space<vmem>> -> memref<80xi32, #tpu.memory_space<vmem>>
    %get3A_316 = arith.constant 64 : index
    %get3A_317 = tpu.vector_load %get3A_315[%get3A_316] {strides = array<i32>} : memref<80xi32, #tpu.memory_space<vmem>>, vector<16xi32>,
    %shift_right_logical3A_318 = arith.constant 7 : i32
    %shift_right_logical3A_319 = vector.broadcast %shift_right_logical3A_318 : i32 to vector<16xi32>
    %shift_right_logical3A_320 = arith.shrui %get3A_317, %shift_right_logical3A_319 : vector<16xi32>
    %and3A_321 = arith.constant 127 : i32
    %and3A_322 = vector.broadcast %and3A_321 : i32 to vector<16xi32>
    %and3A_323 = arith.andi %get3A_317, %and3A_322 : vector<16xi32>
    tpu.vector_store_idx %arg13[%shift_right_logical3A_320, %and3A_323], %broadcast_in_dim3A_150 {add = true} : memref<80x128xf32, #tpu.memory_space<vmem>>[vector<16xi32>, vector<16xi32>], vector<16xf32>,
    %dma_wait3A_324 = arith.constant 1 : i32
    %dma_wait3A_325 = arith.constant 0 : i32
    %dma_wait3A_326 = tpu.memref_slice %arg8[%dma_wait3A_324, %dma_wait3A_325] : memref<6x80xi32, #tpu.memory_space<vmem>> -> memref<1x80xi32, #tpu.memory_space<vmem>>
    %dma_wait3A_327 = tpu.memref_squeeze %dma_wait3A_326 : memref<1x80xi32, #tpu.memory_space<vmem>> -> memref<80xi32, #tpu.memory_space<vmem>>
    %dma_wait3A_328 = arith.constant 0 : i32
    %dma_wait3A_329 = arith.constant 0 : i32
    %dma_wait3A_330 = tpu.memref_slice %arg2[%dma_wait3A_328, %dma_wait3A_329] : memref<10000x128xf32, #tpu.memory_space<hbm>> -> memref<10000x128xf32, #tpu.memory_space<hbm>>
    tpu.wait_indirect_dma semaphore(%arg17 : memref<!tpu.dma_semaphore, #tpu.memory_space<semaphore_mem>>) src(%dma_wait3A_330 : memref<10000x128xf32, #tpu.memory_space<hbm>>) dst(%arg11 : memref<80x128xf32, #tpu.memory_space<vmem>>)
    %dma_start3A_331 = arith.constant 1 : i32
    %dma_start3A_332 = arith.constant 0 : i32
    %dma_start3A_333 = tpu.memref_slice %arg9[%dma_start3A_331, %dma_start3A_332] : memref<6x80xi32, #tpu.memory_space<vmem>> -> memref<1x80xi32, #tpu.memory_space<vmem>>
    %dma_start3A_334 = tpu.memref_squeeze %dma_start3A_333 : memref<1x80xi32, #tpu.memory_space<vmem>> -> memref<80xi32, #tpu.memory_space<vmem>>
    %dma_start3A_335 = arith.constant 0 : i32
    %dma_start3A_336 = arith.constant 0 : i32
    %dma_start3A_337 = tpu.memref_slice %arg14[%dma_start3A_335, %dma_start3A_336] : memref<10240x128xf32, #tpu.memory_space<vmem_shared>> -> memref<10240x128xf32, #tpu.memory_space<vmem_shared>>
    tpu.enqueue_indirect_dma source(%arg11 : memref<80x128xf32, #tpu.memory_space<vmem>>) target(%dma_start3A_337 : memref<10240x128xf32, #tpu.memory_space<vmem_shared>>) offsets(%dma_start3A_334 : memref<80xi32, #tpu.memory_space<vmem>>) semaphore(%arg20 : memref<!tpu.dma_semaphore, #tpu.memory_space<semaphore_mem>>) {add = true}
    %get3A_338 = arith.constant 1 : i32
    %get3A_339 = arith.constant 0 : i32
    %get3A_340 = tpu.memref_slice %arg9[%get3A_338, %get3A_339] : memref<6x80xi32, #tpu.memory_space<vmem>> -> memref<1x80xi32, #tpu.memory_space<vmem>>
    %get3A_341 = tpu.memref_squeeze %get3A_340 : memref<1x80xi32, #tpu.memory_space<vmem>> -> memref<80xi32, #tpu.memory_space<vmem>>
    %get3A_342 = arith.constant 0 : index
    %get3A_343 = tpu.vector_load %get3A_341[%get3A_342] {strides = array<i32>} : memref<80xi32, #tpu.memory_space<vmem>>, vector<16xi32>,
    %shift_right_logical3A_344 = arith.constant 7 : i32
    %shift_right_logical3A_345 = vector.broadcast %shift_right_logical3A_344 : i32 to vector<16xi32>
    %shift_right_logical3A_346 = arith.shrui %get3A_343, %shift_right_logical3A_345 : vector<16xi32>
    %and3A_347 = arith.constant 127 : i32
    %and3A_348 = vector.broadcast %and3A_347 : i32 to vector<16xi32>
    %and3A_349 = arith.andi %get3A_343, %and3A_348 : vector<16xi32>
    tpu.vector_store_idx %arg13[%shift_right_logical3A_346, %and3A_349], %broadcast_in_dim3A_150 {add = true} : memref<80x128xf32, #tpu.memory_space<vmem>>[vector<16xi32>, vector<16xi32>], vector<16xf32>,
    %get3A_350 = arith.constant 1 : i32
    %get3A_351 = arith.constant 0 : i32
    %get3A_352 = tpu.memref_slice %arg9[%get3A_350, %get3A_351] : memref<6x80xi32, #tpu.memory_space<vmem>> -> memref<1x80xi32, #tpu.memory_space<vmem>>
    %get3A_353 = tpu.memref_squeeze %get3A_352 : memref<1x80xi32, #tpu.memory_space<vmem>> -> memref<80xi32, #tpu.memory_space<vmem>>
    %get3A_354 = arith.constant 16 : index
    %get3A_355 = tpu.vector_load %get3A_353[%get3A_354] {strides = array<i32>} : memref<80xi32, #tpu.memory_space<vmem>>, vector<16xi32>,
    %shift_right_logical3A_356 = arith.constant 7 : i32
    %shift_right_logical3A_357 = vector.broadcast %shift_right_logical3A_356 : i32 to vector<16xi32>
    %shift_right_logical3A_358 = arith.shrui %get3A_355, %shift_right_logical3A_357 : vector<16xi32>
    %and3A_359 = arith.constant 127 : i32
    %and3A_360 = vector.broadcast %and3A_359 : i32 to vector<16xi32>
    %and3A_361 = arith.andi %get3A_355, %and3A_360 : vector<16xi32>
    tpu.vector_store_idx %arg13[%shift_right_logical3A_358, %and3A_361], %broadcast_in_dim3A_150 {add = true} : memref<80x128xf32, #tpu.memory_space<vmem>>[vector<16xi32>, vector<16xi32>], vector<16xf32>,
    %get3A_362 = arith.constant 1 : i32
    %get3A_363 = arith.constant 0 : i32
    %get3A_364 = tpu.memref_slice %arg9[%get3A_362, %get3A_363] : memref<6x80xi32, #tpu.memory_space<vmem>> -> memref<1x80xi32, #tpu.memory_space<vmem>>
    %get3A_365 = tpu.memref_squeeze %get3A_364 : memref<1x80xi32, #tpu.memory_space<vmem>> -> memref<80xi32, #tpu.memory_space<vmem>>
    %get3A_366 = arith.constant 32 : index
    %get3A_367 = tpu.vector_load %get3A_365[%get3A_366] {strides = array<i32>} : memref<80xi32, #tpu.memory_space<vmem>>, vector<16xi32>,
    %shift_right_logical3A_368 = arith.constant 7 : i32
    %shift_right_logical3A_369 = vector.broadcast %shift_right_logical3A_368 : i32 to vector<16xi32>
    %shift_right_logical3A_370 = arith.shrui %get3A_367, %shift_right_logical3A_369 : vector<16xi32>
    %and3A_371 = arith.constant 127 : i32
    %and3A_372 = vector.broadcast %and3A_371 : i32 to vector<16xi32>
    %and3A_373 = arith.andi %get3A_367, %and3A_372 : vector<16xi32>
    tpu.vector_store_idx %arg13[%shift_right_logical3A_370, %and3A_373], %broadcast_in_dim3A_150 {add = true} : memref<80x128xf32, #tpu.memory_space<vmem>>[vector<16xi32>, vector<16xi32>], vector<16xf32>,
    %get3A_374 = arith.constant 1 : i32
    %get3A_375 = arith.constant 0 : i32
    %get3A_376 = tpu.memref_slice %arg9[%get3A_374, %get3A_375] : memref<6x80xi32, #tpu.memory_space<vmem>> -> memref<1x80xi32, #tpu.memory_space<vmem>>
    %get3A_377 = tpu.memref_squeeze %get3A_376 : memref<1x80xi32, #tpu.memory_space<vmem>> -> memref<80xi32, #tpu.memory_space<vmem>>
    %get3A_378 = arith.constant 48 : index
    %get3A_379 = tpu.vector_load %get3A_377[%get3A_378] {strides = array<i32>} : memref<80xi32, #tpu.memory_space<vmem>>, vector<16xi32>,
    %shift_right_logical3A_380 = arith.constant 7 : i32
    %shift_right_logical3A_381 = vector.broadcast %shift_right_logical3A_380 : i32 to vector<16xi32>
    %shift_right_logical3A_382 = arith.shrui %get3A_379, %shift_right_logical3A_381 : vector<16xi32>
    %and3A_383 = arith.constant 127 : i32
    %and3A_384 = vector.broadcast %and3A_383 : i32 to vector<16xi32>
    %and3A_385 = arith.andi %get3A_379, %and3A_384 : vector<16xi32>
    tpu.vector_store_idx %arg13[%shift_right_logical3A_382, %and3A_385], %broadcast_in_dim3A_150 {add = true} : memref<80x128xf32, #tpu.memory_space<vmem>>[vector<16xi32>, vector<16xi32>], vector<16xf32>,
    %get3A_386 = arith.constant 1 : i32
    %get3A_387 = arith.constant 0 : i32
    %get3A_388 = tpu.memref_slice %arg9[%get3A_386, %get3A_387] : memref<6x80xi32, #tpu.memory_space<vmem>> -> memref<1x80xi32, #tpu.memory_space<vmem>>
    %get3A_389 = tpu.memref_squeeze %get3A_388 : memref<1x80xi32, #tpu.memory_space<vmem>> -> memref<80xi32, #tpu.memory_space<vmem>>
    %get3A_390 = arith.constant 64 : index
    %get3A_391 = tpu.vector_load %get3A_389[%get3A_390] {strides = array<i32>} : memref<80xi32, #tpu.memory_space<vmem>>, vector<16xi32>,
    %shift_right_logical3A_392 = arith.constant 7 : i32
    %shift_right_logical3A_393 = vector.broadcast %shift_right_logical3A_392 : i32 to vector<16xi32>
    %shift_right_logical3A_394 = arith.shrui %get3A_391, %shift_right_logical3A_393 : vector<16xi32>
    %and3A_395 = arith.constant 127 : i32
    %and3A_396 = vector.broadcast %and3A_395 : i32 to vector<16xi32>
    %and3A_397 = arith.andi %get3A_391, %and3A_396 : vector<16xi32>
    tpu.vector_store_idx %arg13[%shift_right_logical3A_394, %and3A_397], %broadcast_in_dim3A_150 {add = true} : memref<80x128xf32, #tpu.memory_space<vmem>>[vector<16xi32>, vector<16xi32>], vector<16xf32>,
    %dma_wait3A_398 = arith.constant 0 : i32
    %dma_wait3A_399 = arith.constant 0 : i32
    %dma_wait3A_400 = tpu.memref_slice %arg9[%dma_wait3A_398, %dma_wait3A_399] : memref<6x80xi32, #tpu.memory_space<vmem>> -> memref<1x80xi32, #tpu.memory_space<vmem>>
    %dma_wait3A_401 = tpu.memref_squeeze %dma_wait3A_400 : memref<1x80xi32, #tpu.memory_space<vmem>> -> memref<80xi32, #tpu.memory_space<vmem>>
    %dma_wait3A_402 = arith.constant 0 : i32
    %dma_wait3A_403 = arith.constant 0 : i32
    %dma_wait3A_404 = tpu.memref_slice %arg14[%dma_wait3A_402, %dma_wait3A_403] : memref<10240x128xf32, #tpu.memory_space<vmem_shared>> -> memref<10240x128xf32, #tpu.memory_space<vmem_shared>>
    tpu.wait_indirect_dma semaphore(%arg19 : memref<!tpu.dma_semaphore, #tpu.memory_space<semaphore_mem>>) src(%arg10 : memref<80x128xf32, #tpu.memory_space<vmem>>) dst(%dma_wait3A_404 : memref<10240x128xf32, #tpu.memory_space<vmem_shared>>)
    %dma_wait3A_405 = arith.constant 1 : i32
    %dma_wait3A_406 = arith.constant 0 : i32
    %dma_wait3A_407 = tpu.memref_slice %arg9[%dma_wait3A_405, %dma_wait3A_406] : memref<6x80xi32, #tpu.memory_space<vmem>> -> memref<1x80xi32, #tpu.memory_space<vmem>>
    %dma_wait3A_408 = tpu.memref_squeeze %dma_wait3A_407 : memref<1x80xi32, #tpu.memory_space<vmem>> -> memref<80xi32, #tpu.memory_space<vmem>>
    %dma_wait3A_409 = arith.constant 0 : i32
    %dma_wait3A_410 = arith.constant 0 : i32
    %dma_wait3A_411 = tpu.memref_slice %arg14[%dma_wait3A_409, %dma_wait3A_410] : memref<10240x128xf32, #tpu.memory_space<vmem_shared>> -> memref<10240x128xf32, #tpu.memory_space<vmem_shared>>
    tpu.wait_indirect_dma semaphore(%arg20 : memref<!tpu.dma_semaphore, #tpu.memory_space<semaphore_mem>>) src(%arg11 : memref<80x128xf32, #tpu.memory_space<vmem>>) dst(%dma_wait3A_411 : memref<10240x128xf32, #tpu.memory_space<vmem_shared>>)
    %barrier3A_412 = arith.constant 0 : index
    tpu.barrier barrier_id(%barrier3A_412)
    %dma_start3A_413 = arith.constant 0 : i32
    %dma_start3A_414 = arith.constant 0 : i32
    %dma_start3A_415 = tpu.memref_slice %arg7[%add3A, %dma_start3A_413, %dma_start3A_414] : memref<32x80x128xf32, #tpu.memory_space<hbm>> -> memref<1x80x128xf32, #tpu.memory_space<hbm>>
    %dma_start3A_416 = tpu.memref_squeeze %dma_start3A_415 : memref<1x80x128xf32, #tpu.memory_space<hbm>> -> memref<80x128xf32, #tpu.memory_space<hbm>>
    %dma_start3A_417 = arith.constant 0 : i32
    %dma_start3A_418 = arith.constant 0 : i32
    %dma_start3A_419 = tpu.memref_slice %arg7[%add3A, %dma_start3A_417, %dma_start3A_418] : memref<32x80x128xf32, #tpu.memory_space<hbm>> -> memref<1x80x128xf32, #tpu.memory_space<hbm>>
    %dma_start3A_420 = tpu.memref_squeeze %dma_start3A_419 : memref<1x80x128xf32, #tpu.memory_space<hbm>> -> memref<80x128xf32, #tpu.memory_space<hbm>>
    tpu.enqueue_dma source(%arg13 : memref<80x128xf32, #tpu.memory_space<vmem>>) target(%dma_start3A_420 : memref<80x128xf32, #tpu.memory_space<hbm>>) target_semaphore(%arg22 : memref<!tpu.dma_semaphore, #tpu.memory_space<semaphore_mem>>)
    %dma_start3A_421 = arith.constant 0 : i32
    %dma_start3A_422 = tpu.memref_slice %arg14[%mul3A_4, %dma_start3A_421] : memref<10240x128xf32, #tpu.memory_space<vmem_shared>> -> memref<80x128xf32, #tpu.memory_space<vmem_shared>>
    %dma_start3A_423 = arith.constant 0 : i32
    %dma_start3A_424 = tpu.memref_slice %arg14[%mul3A_4, %dma_start3A_423] : memref<10240x128xf32, #tpu.memory_space<vmem_shared>> -> memref<80x128xf32, #tpu.memory_space<vmem_shared>>
    tpu.enqueue_dma source(%dma_start3A_424 : memref<80x128xf32, #tpu.memory_space<vmem_shared>>) target(%arg10 : memref<80x128xf32, #tpu.memory_space<vmem>>) target_semaphore(%arg16 : memref<!tpu.dma_semaphore, #tpu.memory_space<semaphore_mem>>)
    %dma_wait3A_425 = arith.constant 0 : i32
    %dma_wait3A_426 = tpu.memref_slice %arg14[%mul3A_4, %dma_wait3A_425] : memref<10240x128xf32, #tpu.memory_space<vmem_shared>> -> memref<80x128xf32, #tpu.memory_space<vmem_shared>>
    %dma_wait3A_427 = arith.constant 0 : i32
    %dma_wait3A_428 = tpu.memref_slice %arg14[%mul3A_4, %dma_wait3A_427] : memref<10240x128xf32, #tpu.memory_space<vmem_shared>> -> memref<80x128xf32, #tpu.memory_space<vmem_shared>>
    tpu.wait_dma2 semaphore(%arg16 : memref<!tpu.dma_semaphore, #tpu.memory_space<semaphore_mem>>) src(%dma_wait3A_428 : memref<80x128xf32, #tpu.memory_space<vmem_shared>>) dst(%arg10 : memref<80x128xf32, #tpu.memory_space<vmem>>)
    %add3A_429 = arith.constant 80 : i32
    %add3A_430 = arith.addi %mul3A_4, %add3A_429 : i32
    %dma_start3A_431 = arith.constant 0 : i32
    %dma_start3A_432 = tpu.memref_slice %arg14[%add3A_430, %dma_start3A_431] : memref<10240x128xf32, #tpu.memory_space<vmem_shared>> -> memref<80x128xf32, #tpu.memory_space<vmem_shared>>
    %dma_start3A_433 = arith.constant 0 : i32
    %dma_start3A_434 = tpu.memref_slice %arg14[%add3A_430, %dma_start3A_433] : memref<10240x128xf32, #tpu.memory_space<vmem_shared>> -> memref<80x128xf32, #tpu.memory_space<vmem_shared>>
    tpu.enqueue_dma source(%dma_start3A_434 : memref<80x128xf32, #tpu.memory_space<vmem_shared>>) target(%arg11 : memref<80x128xf32, #tpu.memory_space<vmem>>) target_semaphore(%arg17 : memref<!tpu.dma_semaphore, #tpu.memory_space<semaphore_mem>>)
    %add3A_435 = arith.constant 0 : i32
    %add3A_436 = arith.addi %mul3A_4, %add3A_435 : i32
    %dma_start3A_437 = arith.constant 0 : i32
    %dma_start3A_438 = tpu.memref_slice %arg6[%arg0, %add3A_436, %dma_start3A_437] : memref<2x10240x128xf32, #tpu.memory_space<hbm>> -> memref<1x80x128xf32, #tpu.memory_space<hbm>>
    %dma_start3A_439 = tpu.memref_squeeze %dma_start3A_438 : memref<1x80x128xf32, #tpu.memory_space<hbm>> -> memref<80x128xf32, #tpu.memory_space<hbm>>
    %dma_start3A_440 = arith.constant 0 : i32
    %dma_start3A_441 = tpu.memref_slice %arg6[%arg0, %add3A_436, %dma_start3A_440] : memref<2x10240x128xf32, #tpu.memory_space<hbm>> -> memref<1x80x128xf32, #tpu.memory_space<hbm>>
    %dma_start3A_442 = tpu.memref_squeeze %dma_start3A_441 : memref<1x80x128xf32, #tpu.memory_space<hbm>> -> memref<80x128xf32, #tpu.memory_space<hbm>>
    tpu.enqueue_dma source(%arg10 : memref<80x128xf32, #tpu.memory_space<vmem>>) target(%dma_start3A_442 : memref<80x128xf32, #tpu.memory_space<hbm>>) target_semaphore(%arg19 : memref<!tpu.dma_semaphore, #tpu.memory_space<semaphore_mem>>)
    %dma_wait3A_443 = arith.constant 0 : i32
    %dma_wait3A_444 = tpu.memref_slice %arg14[%add3A_430, %dma_wait3A_443] : memref<10240x128xf32, #tpu.memory_space<vmem_shared>> -> memref<80x128xf32, #tpu.memory_space<vmem_shared>>
    %dma_wait3A_445 = arith.constant 0 : i32
    %dma_wait3A_446 = tpu.memref_slice %arg14[%add3A_430, %dma_wait3A_445] : memref<10240x128xf32, #tpu.memory_space<vmem_shared>> -> memref<80x128xf32, #tpu.memory_space<vmem_shared>>
    tpu.wait_dma2 semaphore(%arg17 : memref<!tpu.dma_semaphore, #tpu.memory_space<semaphore_mem>>) src(%dma_wait3A_446 : memref<80x128xf32, #tpu.memory_space<vmem_shared>>) dst(%arg11 : memref<80x128xf32, #tpu.memory_space<vmem>>)
    %dma_wait3A_447 = arith.constant 0 : i32
    %dma_wait3A_448 = tpu.memref_slice %arg6[%arg0, %add3A_436, %dma_wait3A_447] : memref<2x10240x128xf32, #tpu.memory_space<hbm>> -> memref<1x80x128xf32, #tpu.memory_space<hbm>>
    %dma_wait3A_449 = tpu.memref_squeeze %dma_wait3A_448 : memref<1x80x128xf32, #tpu.memory_space<hbm>> -> memref<80x128xf32, #tpu.memory_space<hbm>>
    %dma_wait3A_450 = arith.constant 0 : i32
    %dma_wait3A_451 = tpu.memref_slice %arg6[%arg0, %add3A_436, %dma_wait3A_450] : memref<2x10240x128xf32, #tpu.memory_space<hbm>> -> memref<1x80x128xf32, #tpu.memory_space<hbm>>
    %dma_wait3A_452 = tpu.memref_squeeze %dma_wait3A_451 : memref<1x80x128xf32, #tpu.memory_space<hbm>> -> memref<80x128xf32, #tpu.memory_space<hbm>>
    tpu.wait_dma2 semaphore(%arg19 : memref<!tpu.dma_semaphore, #tpu.memory_space<semaphore_mem>>) src(%arg10 : memref<80x128xf32, #tpu.memory_space<vmem>>) dst(%dma_wait3A_452 : memref<80x128xf32, #tpu.memory_space<hbm>>)
    %add3A_453 = arith.constant 160 : i32
    %add3A_454 = arith.addi %mul3A_4, %add3A_453 : i32
    %dma_start3A_455 = arith.constant 0 : i32
    %dma_start3A_456 = tpu.memref_slice %arg14[%add3A_454, %dma_start3A_455] : memref<10240x128xf32, #tpu.memory_space<vmem_shared>> -> memref<80x128xf32, #tpu.memory_space<vmem_shared>>
    %dma_start3A_457 = arith.constant 0 : i32
    %dma_start3A_458 = tpu.memref_slice %arg14[%add3A_454, %dma_start3A_457] : memref<10240x128xf32, #tpu.memory_space<vmem_shared>> -> memref<80x128xf32, #tpu.memory_space<vmem_shared>>
    tpu.enqueue_dma source(%dma_start3A_458 : memref<80x128xf32, #tpu.memory_space<vmem_shared>>) target(%arg10 : memref<80x128xf32, #tpu.memory_space<vmem>>) target_semaphore(%arg16 : memref<!tpu.dma_semaphore, #tpu.memory_space<semaphore_mem>>)
    %add3A_459 = arith.constant 80 : i32
    %add3A_460 = arith.addi %mul3A_4, %add3A_459 : i32
    %dma_start3A_461 = arith.constant 0 : i32
    %dma_start3A_462 = tpu.memref_slice %arg6[%arg0, %add3A_460, %dma_start3A_461] : memref<2x10240x128xf32, #tpu.memory_space<hbm>> -> memref<1x80x128xf32, #tpu.memory_space<hbm>>
    %dma_start3A_463 = tpu.memref_squeeze %dma_start3A_462 : memref<1x80x128xf32, #tpu.memory_space<hbm>> -> memref<80x128xf32, #tpu.memory_space<hbm>>
    %dma_start3A_464 = arith.constant 0 : i32
    %dma_start3A_465 = tpu.memref_slice %arg6[%arg0, %add3A_460, %dma_start3A_464] : memref<2x10240x128xf32, #tpu.memory_space<hbm>> -> memref<1x80x128xf32, #tpu.memory_space<hbm>>
    %dma_start3A_466 = tpu.memref_squeeze %dma_start3A_465 : memref<1x80x128xf32, #tpu.memory_space<hbm>> -> memref<80x128xf32, #tpu.memory_space<hbm>>
    tpu.enqueue_dma source(%arg11 : memref<80x128xf32, #tpu.memory_space<vmem>>) target(%dma_start3A_466 : memref<80x128xf32, #tpu.memory_space<hbm>>) target_semaphore(%arg20 : memref<!tpu.dma_semaphore, #tpu.memory_space<semaphore_mem>>)
    %dma_wait3A_467 = arith.constant 0 : i32
    %dma_wait3A_468 = tpu.memref_slice %arg14[%add3A_454, %dma_wait3A_467] : memref<10240x128xf32, #tpu.memory_space<vmem_shared>> -> memref<80x128xf32, #tpu.memory_space<vmem_shared>>
    %dma_wait3A_469 = arith.constant 0 : i32
    %dma_wait3A_470 = tpu.memref_slice %arg14[%add3A_454, %dma_wait3A_469] : memref<10240x128xf32, #tpu.memory_space<vmem_shared>> -> memref<80x128xf32, #tpu.memory_space<vmem_shared>>
    tpu.wait_dma2 semaphore(%arg16 : memref<!tpu.dma_semaphore, #tpu.memory_space<semaphore_mem>>) src(%dma_wait3A_470 : memref<80x128xf32, #tpu.memory_space<vmem_shared>>) dst(%arg10 : memref<80x128xf32, #tpu.memory_space<vmem>>)
    %dma_wait3A_471 = arith.constant 0 : i32
    %dma_wait3A_472 = tpu.memref_slice %arg6[%arg0, %add3A_460, %dma_wait3A_471] : memref<2x10240x128xf32, #tpu.memory_space<hbm>> -> memref<1x80x128xf32, #tpu.memory_space<hbm>>
    %dma_wait3A_473 = tpu.memref_squeeze %dma_wait3A_472 : memref<1x80x128xf32, #tpu.memory_space<hbm>> -> memref<80x128xf32, #tpu.memory_space<hbm>>
    %dma_wait3A_474 = arith.constant 0 : i32
    %dma_wait3A_475 = tpu.memref_slice %arg6[%arg0, %add3A_460, %dma_wait3A_474] : memref<2x10240x128xf32, #tpu.memory_space<hbm>> -> memref<1x80x128xf32, #tpu.memory_space<hbm>>
    %dma_wait3A_476 = tpu.memref_squeeze %dma_wait3A_475 : memref<1x80x128xf32, #tpu.memory_space<hbm>> -> memref<80x128xf32, #tpu.memory_space<hbm>>
    tpu.wait_dma2 semaphore(%arg20 : memref<!tpu.dma_semaphore, #tpu.memory_space<semaphore_mem>>) src(%arg11 : memref<80x128xf32, #tpu.memory_space<vmem>>) dst(%dma_wait3A_476 : memref<80x128xf32, #tpu.memory_space<hbm>>)
    %add3A_477 = arith.constant 240 : i32
    %add3A_478 = arith.addi %mul3A_4, %add3A_477 : i32
    %dma_start3A_479 = arith.constant 0 : i32
    %dma_start3A_480 = tpu.memref_slice %arg14[%add3A_478, %dma_start3A_479] : memref<10240x128xf32, #tpu.memory_space<vmem_shared>> -> memref<80x128xf32, #tpu.memory_space<vmem_shared>>
    %dma_start3A_481 = arith.constant 0 : i32
    %dma_start3A_482 = tpu.memref_slice %arg14[%add3A_478, %dma_start3A_481] : memref<10240x128xf32, #tpu.memory_space<vmem_shared>> -> memref<80x128xf32, #tpu.memory_space<vmem_shared>>
    tpu.enqueue_dma source(%dma_start3A_482 : memref<80x128xf32, #tpu.memory_space<vmem_shared>>) target(%arg11 : memref<80x128xf32, #tpu.memory_space<vmem>>) target_semaphore(%arg17 : memref<!tpu.dma_semaphore, #tpu.memory_space<semaphore_mem>>)
    %add3A_483 = arith.constant 160 : i32
    %add3A_484 = arith.addi %mul3A_4, %add3A_483 : i32
    %dma_start3A_485 = arith.constant 0 : i32
    %dma_start3A_486 = tpu.memref_slice %arg6[%arg0, %add3A_484, %dma_start3A_485] : memref<2x10240x128xf32, #tpu.memory_space<hbm>> -> memref<1x80x128xf32, #tpu.memory_space<hbm>>
    %dma_start3A_487 = tpu.memref_squeeze %dma_start3A_486 : memref<1x80x128xf32, #tpu.memory_space<hbm>> -> memref<80x128xf32, #tpu.memory_space<hbm>>
    %dma_start3A_488 = arith.constant 0 : i32
    %dma_start3A_489 = tpu.memref_slice %arg6[%arg0, %add3A_484, %dma_start3A_488] : memref<2x10240x128xf32, #tpu.memory_space<hbm>> -> memref<1x80x128xf32, #tpu.memory_space<hbm>>
    %dma_start3A_490 = tpu.memref_squeeze %dma_start3A_489 : memref<1x80x128xf32, #tpu.memory_space<hbm>> -> memref<80x128xf32, #tpu.memory_space<hbm>>
    tpu.enqueue_dma source(%arg10 : memref<80x128xf32, #tpu.memory_space<vmem>>) target(%dma_start3A_490 : memref<80x128xf32, #tpu.memory_space<hbm>>) target_semaphore(%arg19 : memref<!tpu.dma_semaphore, #tpu.memory_space<semaphore_mem>>)
    %dma_wait3A_491 = arith.constant 0 : i32
    %dma_wait3A_492 = tpu.memref_slice %arg14[%add3A_478, %dma_wait3A_491] : memref<10240x128xf32, #tpu.memory_space<vmem_shared>> -> memref<80x128xf32, #tpu.memory_space<vmem_shared>>
    %dma_wait3A_493 = arith.constant 0 : i32
    %dma_wait3A_494 = tpu.memref_slice %arg14[%add3A_478, %dma_wait3A_493] : memref<10240x128xf32, #tpu.memory_space<vmem_shared>> -> memref<80x128xf32, #tpu.memory_space<vmem_shared>>
    tpu.wait_dma2 semaphore(%arg17 : memref<!tpu.dma_semaphore, #tpu.memory_space<semaphore_mem>>) src(%dma_wait3A_494 : memref<80x128xf32, #tpu.memory_space<vmem_shared>>) dst(%arg11 : memref<80x128xf32, #tpu.memory_space<vmem>>)
    %dma_wait3A_495 = arith.constant 0 : i32
    %dma_wait3A_496 = tpu.memref_slice %arg6[%arg0, %add3A_484, %dma_wait3A_495] : memref<2x10240x128xf32, #tpu.memory_space<hbm>> -> memref<1x80x128xf32, #tpu.memory_space<hbm>>
    %dma_wait3A_497 = tpu.memref_squeeze %dma_wait3A_496 : memref<1x80x128xf32, #tpu.memory_space<hbm>> -> memref<80x128xf32, #tpu.memory_space<hbm>>
    %dma_wait3A_498 = arith.constant 0 : i32
    %dma_wait3A_499 = tpu.memref_slice %arg6[%arg0, %add3A_484, %dma_wait3A_498] : memref<2x10240x128xf32, #tpu.memory_space<hbm>> -> memref<1x80x128xf32, #tpu.memory_space<hbm>>
    %dma_wait3A_500 = tpu.memref_squeeze %dma_wait3A_499 : memref<1x80x128xf32, #tpu.memory_space<hbm>> -> memref<80x128xf32, #tpu.memory_space<hbm>>
    tpu.wait_dma2 semaphore(%arg19 : memref<!tpu.dma_semaphore, #tpu.memory_space<semaphore_mem>>) src(%arg10 : memref<80x128xf32, #tpu.memory_space<vmem>>) dst(%dma_wait3A_500 : memref<80x128xf32, #tpu.memory_space<hbm>>)
    %add3A_501 = arith.constant 320 : i32
    %add3A_502 = arith.addi %mul3A_4, %add3A_501 : i32
    %dma_start3A_503 = arith.constant 0 : i32
    %dma_start3A_504 = tpu.memref_slice %arg14[%add3A_502, %dma_start3A_503] : memref<10240x128xf32, #tpu.memory_space<vmem_shared>> -> memref<80x128xf32, #tpu.memory_space<vmem_shared>>
    %dma_start3A_505 = arith.constant 0 : i32
    %dma_start3A_506 = tpu.memref_slice %arg14[%add3A_502, %dma_start3A_505] : memref<10240x128xf32, #tpu.memory_space<vmem_shared>> -> memref<80x128xf32, #tpu.memory_space<vmem_shared>>
    tpu.enqueue_dma source(%dma_start3A_506 : memref<80x128xf32, #tpu.memory_space<vmem_shared>>) target(%arg10 : memref<80x128xf32, #tpu.memory_space<vmem>>) target_semaphore(%arg16 : memref<!tpu.dma_semaphore, #tpu.memory_space<semaphore_mem>>)
    %add3A_507 = arith.constant 240 : i32
    %add3A_508 = arith.addi %mul3A_4, %add3A_507 : i32
    %dma_start3A_509 = arith.constant 0 : i32
    %dma_start3A_510 = tpu.memref_slice %arg6[%arg0, %add3A_508, %dma_start3A_509] : memref<2x10240x128xf32, #tpu.memory_space<hbm>> -> memref<1x80x128xf32, #tpu.memory_space<hbm>>
    %dma_start3A_511 = tpu.memref_squeeze %dma_start3A_510 : memref<1x80x128xf32, #tpu.memory_space<hbm>> -> memref<80x128xf32, #tpu.memory_space<hbm>>
    %dma_start3A_512 = arith.constant 0 : i32
    %dma_start3A_513 = tpu.memref_slice %arg6[%arg0, %add3A_508, %dma_start3A_512] : memref<2x10240x128xf32, #tpu.memory_space<hbm>> -> memref<1x80x128xf32, #tpu.memory_space<hbm>>
    %dma_start3A_514 = tpu.memref_squeeze %dma_start3A_513 : memref<1x80x128xf32, #tpu.memory_space<hbm>> -> memref<80x128xf32, #tpu.memory_space<hbm>>
    tpu.enqueue_dma source(%arg11 : memref<80x128xf32, #tpu.memory_space<vmem>>) target(%dma_start3A_514 : memref<80x128xf32, #tpu.memory_space<hbm>>) target_semaphore(%arg20 : memref<!tpu.dma_semaphore, #tpu.memory_space<semaphore_mem>>)
    %dma_wait3A_515 = arith.constant 0 : i32
    %dma_wait3A_516 = tpu.memref_slice %arg14[%add3A_502, %dma_wait3A_515] : memref<10240x128xf32, #tpu.memory_space<vmem_shared>> -> memref<80x128xf32, #tpu.memory_space<vmem_shared>>
    %dma_wait3A_517 = arith.constant 0 : i32
    %dma_wait3A_518 = tpu.memref_slice %arg14[%add3A_502, %dma_wait3A_517] : memref<10240x128xf32, #tpu.memory_space<vmem_shared>> -> memref<80x128xf32, #tpu.memory_space<vmem_shared>>
    tpu.wait_dma2 semaphore(%arg16 : memref<!tpu.dma_semaphore, #tpu.memory_space<semaphore_mem>>) src(%dma_wait3A_518 : memref<80x128xf32, #tpu.memory_space<vmem_shared>>) dst(%arg10 : memref<80x128xf32, #tpu.memory_space<vmem>>)
    %dma_wait3A_519 = arith.constant 0 : i32
    %dma_wait3A_520 = tpu.memref_slice %arg6[%arg0, %add3A_508, %dma_wait3A_519] : memref<2x10240x128xf32, #tpu.memory_space<hbm>> -> memref<1x80x128xf32, #tpu.memory_space<hbm>>
    %dma_wait3A_521 = tpu.memref_squeeze %dma_wait3A_520 : memref<1x80x128xf32, #tpu.memory_space<hbm>> -> memref<80x128xf32, #tpu.memory_space<hbm>>
    %dma_wait3A_522 = arith.constant 0 : i32
    %dma_wait3A_523 = tpu.memref_slice %arg6[%arg0, %add3A_508, %dma_wait3A_522] : memref<2x10240x128xf32, #tpu.memory_space<hbm>> -> memref<1x80x128xf32, #tpu.memory_space<hbm>>
    %dma_wait3A_524 = tpu.memref_squeeze %dma_wait3A_523 : memref<1x80x128xf32, #tpu.memory_space<hbm>> -> memref<80x128xf32, #tpu.memory_space<hbm>>
    tpu.wait_dma2 semaphore(%arg20 : memref<!tpu.dma_semaphore, #tpu.memory_space<semaphore_mem>>) src(%arg11 : memref<80x128xf32, #tpu.memory_space<vmem>>) dst(%dma_wait3A_524 : memref<80x128xf32, #tpu.memory_space<hbm>>)
    %add3A_525 = arith.constant 400 : i32
    %add3A_526 = arith.addi %mul3A_4, %add3A_525 : i32
    %dma_start3A_527 = arith.constant 0 : i32
    %dma_start3A_528 = tpu.memref_slice %arg14[%add3A_526, %dma_start3A_527] : memref<10240x128xf32, #tpu.memory_space<vmem_shared>> -> memref<80x128xf32, #tpu.memory_space<vmem_shared>>
    %dma_start3A_529 = arith.constant 0 : i32
    %dma_start3A_530 = tpu.memref_slice %arg14[%add3A_526, %dma_start3A_529] : memref<10240x128xf32, #tpu.memory_space<vmem_shared>> -> memref<80x128xf32, #tpu.memory_space<vmem_shared>>
    tpu.enqueue_dma source(%dma_start3A_530 : memref<80x128xf32, #tpu.memory_space<vmem_shared>>) target(%arg11 : memref<80x128xf32, #tpu.memory_space<vmem>>) target_semaphore(%arg17 : memref<!tpu.dma_semaphore, #tpu.memory_space<semaphore_mem>>)
    %add3A_531 = arith.constant 320 : i32
    %add3A_532 = arith.addi %mul3A_4, %add3A_531 : i32
    %dma_start3A_533 = arith.constant 0 : i32
    %dma_start3A_534 = tpu.memref_slice %arg6[%arg0, %add3A_532, %dma_start3A_533] : memref<2x10240x128xf32, #tpu.memory_space<hbm>> -> memref<1x80x128xf32, #tpu.memory_space<hbm>>
    %dma_start3A_535 = tpu.memref_squeeze %dma_start3A_534 : memref<1x80x128xf32, #tpu.memory_space<hbm>> -> memref<80x128xf32, #tpu.memory_space<hbm>>
    %dma_start3A_536 = arith.constant 0 : i32
    %dma_start3A_537 = tpu.memref_slice %arg6[%arg0, %add3A_532, %dma_start3A_536] : memref<2x10240x128xf32, #tpu.memory_space<hbm>> -> memref<1x80x128xf32, #tpu.memory_space<hbm>>
    %dma_start3A_538 = tpu.memref_squeeze %dma_start3A_537 : memref<1x80x128xf32, #tpu.memory_space<hbm>> -> memref<80x128xf32, #tpu.memory_space<hbm>>
    tpu.enqueue_dma source(%arg10 : memref<80x128xf32, #tpu.memory_space<vmem>>) target(%dma_start3A_538 : memref<80x128xf32, #tpu.memory_space<hbm>>) target_semaphore(%arg19 : memref<!tpu.dma_semaphore, #tpu.memory_space<semaphore_mem>>)
    %dma_wait3A_539 = arith.constant 0 : i32
    %dma_wait3A_540 = tpu.memref_slice %arg14[%add3A_526, %dma_wait3A_539] : memref<10240x128xf32, #tpu.memory_space<vmem_shared>> -> memref<80x128xf32, #tpu.memory_space<vmem_shared>>
    %dma_wait3A_541 = arith.constant 0 : i32
    %dma_wait3A_542 = tpu.memref_slice %arg14[%add3A_526, %dma_wait3A_541] : memref<10240x128xf32, #tpu.memory_space<vmem_shared>> -> memref<80x128xf32, #tpu.memory_space<vmem_shared>>
    tpu.wait_dma2 semaphore(%arg17 : memref<!tpu.dma_semaphore, #tpu.memory_space<semaphore_mem>>) src(%dma_wait3A_542 : memref<80x128xf32, #tpu.memory_space<vmem_shared>>) dst(%arg11 : memref<80x128xf32, #tpu.memory_space<vmem>>)
    %dma_wait3A_543 = arith.constant 0 : i32
    %dma_wait3A_544 = tpu.memref_slice %arg6[%arg0, %add3A_532, %dma_wait3A_543] : memref<2x10240x128xf32, #tpu.memory_space<hbm>> -> memref<1x80x128xf32, #tpu.memory_space<hbm>>
    %dma_wait3A_545 = tpu.memref_squeeze %dma_wait3A_544 : memref<1x80x128xf32, #tpu.memory_space<hbm>> -> memref<80x128xf32, #tpu.memory_space<hbm>>
    %dma_wait3A_546 = arith.constant 0 : i32
    %dma_wait3A_547 = tpu.memref_slice %arg6[%arg0, %add3A_532, %dma_wait3A_546] : memref<2x10240x128xf32, #tpu.memory_space<hbm>> -> memref<1x80x128xf32, #tpu.memory_space<hbm>>
    %dma_wait3A_548 = tpu.memref_squeeze %dma_wait3A_547 : memref<1x80x128xf32, #tpu.memory_space<hbm>> -> memref<80x128xf32, #tpu.memory_space<hbm>>
    tpu.wait_dma2 semaphore(%arg19 : memref<!tpu.dma_semaphore, #tpu.memory_space<semaphore_mem>>) src(%arg10 : memref<80x128xf32, #tpu.memory_space<vmem>>) dst(%dma_wait3A_548 : memref<80x128xf32, #tpu.memory_space<hbm>>)
    %add3A_549 = arith.constant 480 : i32
    %add3A_550 = arith.addi %mul3A_4, %add3A_549 : i32
    %dma_start3A_551 = arith.constant 0 : i32
    %dma_start3A_552 = tpu.memref_slice %arg14[%add3A_550, %dma_start3A_551] : memref<10240x128xf32, #tpu.memory_space<vmem_shared>> -> memref<80x128xf32, #tpu.memory_space<vmem_shared>>
    %dma_start3A_553 = arith.constant 0 : i32
    %dma_start3A_554 = tpu.memref_slice %arg14[%add3A_550, %dma_start3A_553] : memref<10240x128xf32, #tpu.memory_space<vmem_shared>> -> memref<80x128xf32, #tpu.memory_space<vmem_shared>>
    tpu.enqueue_dma source(%dma_start3A_554 : memref<80x128xf32, #tpu.memory_space<vmem_shared>>) target(%arg10 : memref<80x128xf32, #tpu.memory_space<vmem>>) target_semaphore(%arg16 : memref<!tpu.dma_semaphore, #tpu.memory_space<semaphore_mem>>)
    %add3A_555 = arith.constant 400 : i32
    %add3A_556 = arith.addi %mul3A_4, %add3A_555 : i32
    %dma_start3A_557 = arith.constant 0 : i32
    %dma_start3A_558 = tpu.memref_slice %arg6[%arg0, %add3A_556, %dma_start3A_557] : memref<2x10240x128xf32, #tpu.memory_space<hbm>> -> memref<1x80x128xf32, #tpu.memory_space<hbm>>
    %dma_start3A_559 = tpu.memref_squeeze %dma_start3A_558 : memref<1x80x128xf32, #tpu.memory_space<hbm>> -> memref<80x128xf32, #tpu.memory_space<hbm>>
    %dma_start3A_560 = arith.constant 0 : i32
    %dma_start3A_561 = tpu.memref_slice %arg6[%arg0, %add3A_556, %dma_start3A_560] : memref<2x10240x128xf32, #tpu.memory_space<hbm>> -> memref<1x80x128xf32, #tpu.memory_space<hbm>>
    %dma_start3A_562 = tpu.memref_squeeze %dma_start3A_561 : memref<1x80x128xf32, #tpu.memory_space<hbm>> -> memref<80x128xf32, #tpu.memory_space<hbm>>
    tpu.enqueue_dma source(%arg11 : memref<80x128xf32, #tpu.memory_space<vmem>>) target(%dma_start3A_562 : memref<80x128xf32, #tpu.memory_space<hbm>>) target_semaphore(%arg20 : memref<!tpu.dma_semaphore, #tpu.memory_space<semaphore_mem>>)
    %dma_wait3A_563 = arith.constant 0 : i32
    %dma_wait3A_564 = tpu.memref_slice %arg14[%add3A_550, %dma_wait3A_563] : memref<10240x128xf32, #tpu.memory_space<vmem_shared>> -> memref<80x128xf32, #tpu.memory_space<vmem_shared>>
    %dma_wait3A_565 = arith.constant 0 : i32
    %dma_wait3A_566 = tpu.memref_slice %arg14[%add3A_550, %dma_wait3A_565] : memref<10240x128xf32, #tpu.memory_space<vmem_shared>> -> memref<80x128xf32, #tpu.memory_space<vmem_shared>>
    tpu.wait_dma2 semaphore(%arg16 : memref<!tpu.dma_semaphore, #tpu.memory_space<semaphore_mem>>) src(%dma_wait3A_566 : memref<80x128xf32, #tpu.memory_space<vmem_shared>>) dst(%arg10 : memref<80x128xf32, #tpu.memory_space<vmem>>)
    %dma_wait3A_567 = arith.constant 0 : i32
    %dma_wait3A_568 = tpu.memref_slice %arg6[%arg0, %add3A_556, %dma_wait3A_567] : memref<2x10240x128xf32, #tpu.memory_space<hbm>> -> memref<1x80x128xf32, #tpu.memory_space<hbm>>
    %dma_wait3A_569 = tpu.memref_squeeze %dma_wait3A_568 : memref<1x80x128xf32, #tpu.memory_space<hbm>> -> memref<80x128xf32, #tpu.memory_space<hbm>>
    %dma_wait3A_570 = arith.constant 0 : i32
    %dma_wait3A_571 = tpu.memref_slice %arg6[%arg0, %add3A_556, %dma_wait3A_570] : memref<2x10240x128xf32, #tpu.memory_space<hbm>> -> memref<1x80x128xf32, #tpu.memory_space<hbm>>
    %dma_wait3A_572 = tpu.memref_squeeze %dma_wait3A_571 : memref<1x80x128xf32, #tpu.memory_space<hbm>> -> memref<80x128xf32, #tpu.memory_space<hbm>>
    tpu.wait_dma2 semaphore(%arg20 : memref<!tpu.dma_semaphore, #tpu.memory_space<semaphore_mem>>) src(%arg11 : memref<80x128xf32, #tpu.memory_space<vmem>>) dst(%dma_wait3A_572 : memref<80x128xf32, #tpu.memory_space<hbm>>)
    %add3A_573 = arith.constant 560 : i32
    %add3A_574 = arith.addi %mul3A_4, %add3A_573 : i32
    %dma_start3A_575 = arith.constant 0 : i32
    %dma_start3A_576 = tpu.memref_slice %arg14[%add3A_574, %dma_start3A_575] : memref<10240x128xf32, #tpu.memory_space<vmem_shared>> -> memref<80x128xf32, #tpu.memory_space<vmem_shared>>
    %dma_start3A_577 = arith.constant 0 : i32
    %dma_start3A_578 = tpu.memref_slice %arg14[%add3A_574, %dma_start3A_577] : memref<10240x128xf32, #tpu.memory_space<vmem_shared>> -> memref<80x128xf32, #tpu.memory_space<vmem_shared>>
    tpu.enqueue_dma source(%dma_start3A_578 : memref<80x128xf32, #tpu.memory_space<vmem_shared>>) target(%arg11 : memref<80x128xf32, #tpu.memory_space<vmem>>) target_semaphore(%arg17 : memref<!tpu.dma_semaphore, #tpu.memory_space<semaphore_mem>>)
    %add3A_579 = arith.constant 480 : i32
    %add3A_580 = arith.addi %mul3A_4, %add3A_579 : i32
    %dma_start3A_581 = arith.constant 0 : i32
    %dma_start3A_582 = tpu.memref_slice %arg6[%arg0, %add3A_580, %dma_start3A_581] : memref<2x10240x128xf32, #tpu.memory_space<hbm>> -> memref<1x80x128xf32, #tpu.memory_space<hbm>>
    %dma_start3A_583 = tpu.memref_squeeze %dma_start3A_582 : memref<1x80x128xf32, #tpu.memory_space<hbm>> -> memref<80x128xf32, #tpu.memory_space<hbm>>
    %dma_start3A_584 = arith.constant 0 : i32
    %dma_start3A_585 = tpu.memref_slice %arg6[%arg0, %add3A_580, %dma_start3A_584] : memref<2x10240x128xf32, #tpu.memory_space<hbm>> -> memref<1x80x128xf32, #tpu.memory_space<hbm>>
    %dma_start3A_586 = tpu.memref_squeeze %dma_start3A_585 : memref<1x80x128xf32, #tpu.memory_space<hbm>> -> memref<80x128xf32, #tpu.memory_space<hbm>>
    tpu.enqueue_dma source(%arg10 : memref<80x128xf32, #tpu.memory_space<vmem>>) target(%dma_start3A_586 : memref<80x128xf32, #tpu.memory_space<hbm>>) target_semaphore(%arg19 : memref<!tpu.dma_semaphore, #tpu.memory_space<semaphore_mem>>)
    %dma_wait3A_587 = arith.constant 0 : i32
    %dma_wait3A_588 = tpu.memref_slice %arg14[%add3A_574, %dma_wait3A_587] : memref<10240x128xf32, #tpu.memory_space<vmem_shared>> -> memref<80x128xf32, #tpu.memory_space<vmem_shared>>
    %dma_wait3A_589 = arith.constant 0 : i32
    %dma_wait3A_590 = tpu.memref_slice %arg14[%add3A_574, %dma_wait3A_589] : memref<10240x128xf32, #tpu.memory_space<vmem_shared>> -> memref<80x128xf32, #tpu.memory_space<vmem_shared>>
    tpu.wait_dma2 semaphore(%arg17 : memref<!tpu.dma_semaphore, #tpu.memory_space<semaphore_mem>>) src(%dma_wait3A_590 : memref<80x128xf32, #tpu.memory_space<vmem_shared>>) dst(%arg11 : memref<80x128xf32, #tpu.memory_space<vmem>>)
    %add3A_591 = arith.constant 560 : i32
    %add3A_592 = arith.addi %mul3A_4, %add3A_591 : i32
    %dma_start3A_593 = arith.constant 0 : i32
    %dma_start3A_594 = tpu.memref_slice %arg6[%arg0, %add3A_592, %dma_start3A_593] : memref<2x10240x128xf32, #tpu.memory_space<hbm>> -> memref<1x80x128xf32, #tpu.memory_space<hbm>>
    %dma_start3A_595 = tpu.memref_squeeze %dma_start3A_594 : memref<1x80x128xf32, #tpu.memory_space<hbm>> -> memref<80x128xf32, #tpu.memory_space<hbm>>
    %dma_start3A_596 = arith.constant 0 : i32
    %dma_start3A_597 = tpu.memref_slice %arg6[%arg0, %add3A_592, %dma_start3A_596] : memref<2x10240x128xf32, #tpu.memory_space<hbm>> -> memref<1x80x128xf32, #tpu.memory_space<hbm>>
    %dma_start3A_598 = tpu.memref_squeeze %dma_start3A_597 : memref<1x80x128xf32, #tpu.memory_space<hbm>> -> memref<80x128xf32, #tpu.memory_space<hbm>>
    tpu.enqueue_dma source(%arg11 : memref<80x128xf32, #tpu.memory_space<vmem>>) target(%dma_start3A_598 : memref<80x128xf32, #tpu.memory_space<hbm>>) target_semaphore(%arg20 : memref<!tpu.dma_semaphore, #tpu.memory_space<semaphore_mem>>)
    %dma_wait3A_599 = arith.constant 0 : i32
    %dma_wait3A_600 = tpu.memref_slice %arg6[%arg0, %add3A_580, %dma_wait3A_599] : memref<2x10240x128xf32, #tpu.memory_space<hbm>> -> memref<1x80x128xf32, #tpu.memory_space<hbm>>
    %dma_wait3A_601 = tpu.memref_squeeze %dma_wait3A_600 : memref<1x80x128xf32, #tpu.memory_space<hbm>> -> memref<80x128xf32, #tpu.memory_space<hbm>>
    %dma_wait3A_602 = arith.constant 0 : i32
    %dma_wait3A_603 = tpu.memref_slice %arg6[%arg0, %add3A_580, %dma_wait3A_602] : memref<2x10240x128xf32, #tpu.memory_space<hbm>> -> memref<1x80x128xf32, #tpu.memory_space<hbm>>
    %dma_wait3A_604 = tpu.memref_squeeze %dma_wait3A_603 : memref<1x80x128xf32, #tpu.memory_space<hbm>> -> memref<80x128xf32, #tpu.memory_space<hbm>>
    tpu.wait_dma2 semaphore(%arg19 : memref<!tpu.dma_semaphore, #tpu.memory_space<semaphore_mem>>) src(%arg10 : memref<80x128xf32, #tpu.memory_space<vmem>>) dst(%dma_wait3A_604 : memref<80x128xf32, #tpu.memory_space<hbm>>)
    %dma_wait3A_605 = arith.constant 0 : i32
    %dma_wait3A_606 = tpu.memref_slice %arg6[%arg0, %add3A_592, %dma_wait3A_605] : memref<2x10240x128xf32, #tpu.memory_space<hbm>> -> memref<1x80x128xf32, #tpu.memory_space<hbm>>
    %dma_wait3A_607 = tpu.memref_squeeze %dma_wait3A_606 : memref<1x80x128xf32, #tpu.memory_space<hbm>> -> memref<80x128xf32, #tpu.memory_space<hbm>>
    %dma_wait3A_608 = arith.constant 0 : i32
    %dma_wait3A_609 = tpu.memref_slice %arg6[%arg0, %add3A_592, %dma_wait3A_608] : memref<2x10240x128xf32, #tpu.memory_space<hbm>> -> memref<1x80x128xf32, #tpu.memory_space<hbm>>
    %dma_wait3A_610 = tpu.memref_squeeze %dma_wait3A_609 : memref<1x80x128xf32, #tpu.memory_space<hbm>> -> memref<80x128xf32, #tpu.memory_space<hbm>>
    tpu.wait_dma2 semaphore(%arg20 : memref<!tpu.dma_semaphore, #tpu.memory_space<semaphore_mem>>) src(%arg11 : memref<80x128xf32, #tpu.memory_space<vmem>>) dst(%dma_wait3A_610 : memref<80x128xf32, #tpu.memory_space<hbm>>)
    %dma_wait3A_611 = arith.constant 0 : i32
    %dma_wait3A_612 = arith.constant 0 : i32
    %dma_wait3A_613 = tpu.memref_slice %arg7[%add3A, %dma_wait3A_611, %dma_wait3A_612] : memref<32x80x128xf32, #tpu.memory_space<hbm>> -> memref<1x80x128xf32, #tpu.memory_space<hbm>>
    %dma_wait3A_614 = tpu.memref_squeeze %dma_wait3A_613 : memref<1x80x128xf32, #tpu.memory_space<hbm>> -> memref<80x128xf32, #tpu.memory_space<hbm>>
    %dma_wait3A_615 = arith.constant 0 : i32
    %dma_wait3A_616 = arith.constant 0 : i32
    %dma_wait3A_617 = tpu.memref_slice %arg7[%add3A, %dma_wait3A_615, %dma_wait3A_616] : memref<32x80x128xf32, #tpu.memory_space<hbm>> -> memref<1x80x128xf32, #tpu.memory_space<hbm>>
    %dma_wait3A_618 = tpu.memref_squeeze %dma_wait3A_617 : memref<1x80x128xf32, #tpu.memory_space<hbm>> -> memref<80x128xf32, #tpu.memory_space<hbm>>
    tpu.wait_dma2 semaphore(%arg22 : memref<!tpu.dma_semaphore, #tpu.memory_space<semaphore_mem>>) src(%arg13 : memref<80x128xf32, #tpu.memory_space<vmem>>) dst(%dma_wait3A_618 : memref<80x128xf32, #tpu.memory_space<hbm>>)
    return
  }
}

</mosaic_0001>

<sc_bundles>
// kernel: _sc_segment_sum.3.cloned.1.call-start
scs
__scs_entry_jumppad:
0x0: {  	(pc) =	sbr.rel $0x88, $3  }
0x1: {  	(tag) =	ssettag $0x0;
	lr =	simm.s32 $0x1  }
0x2: {  	[smem:$0x3F9E] =	sst lr;
	_ =	strace $0xD0000000  }
0x3: {  	_ = 	snop  }
0x4: {  	_ = 	snop  }
0x5: {  	_ = 	snop  }
0x6: {  	_ = 	snop  }
0x7: {  	_ = 	snop  }
__scs_overlays_trampoline_lowered:
0x8: {  	[smem:$0x3FAD] =	sst s0  }
0x9: {  	[smem:$0x3FAE] =	sst s1  }
0xa: {  	[smem:$0x3FAF] =	sst s2  }
0xb: {  	[smem:$0x3FB0] =	sst s3  }
0xc: {  	[smem:$0x3FB1] =	sst s4  }
0xd: {  	[smem:$0x3FB2] =	sst s5  }
0xe: {  	[smem:$0x3FB3] =	sst s6  }
0xf: {  	[smem:$0x3FB4] =	sst s7  }
0x10: {  	[smem:$0x3FB5] =	sst s8  }
0x11: {  	[smem:$0x3FB6] =	sst s9;
	s0 =	simm.s32 @!p0 $0x0  }
0x12: {  	s1 =	sld [smem:$0x3F9C];
	s0 =	simm.s32 @p0 $0x1  }
0x13: {  	[smem:$0x3FB7] =	sst s0;
	s0 =	simm.s32 @!p1 $0x0  }
0x14: {  	s2 =	sld [smem:$0x3F9B];
	s0 =	simm.s32 @p1 $0x1  }
0x15: {  	[smem:$0x3FB8] =	sst s0;
	s0 =	simm.s32 @!p2 $0x0  }
0x16: {  	s3 =	sld [smem:$0x3FDB];
	s0 =	simm.s32 @p2 $0x1  }
0x17: {  	s4 =	simm.s32 $0x1BF5;
	[smem:$0x3FBA] =	sst s0  }
0x18: {  	s0 =	sld [smem:$0x3F9D];
	_ =	swait.ge [sflag:s4], $0x0  }
0x19: {  	s7 =	sld [smem:$0x3F9E]  }
0x1a: {  	s8 =	sadd.s32 $0xFFFFE003, lr  }
0x1b: {  	s9 =	sadd.s32 $0xFFFFFEF7, lr;
	s5 =	simm.s32 $0xFFFFFFFF;
	p2 =	slt.u32 s8, $0xFFFFF086  }
0x1c: {  	p1 =	slt.u32 s9, $0xF7A;
	s5 =	simm.s32 @!p2 $0x0  }
0x1d: {  	s5 =	simm.s32 @p1 $0x1;
	p0 =	seq.s32 s7, s2  }
0x1e: {  	s7 =	smul.u32 @!p0 $0xF7A, s2;
	p2 =	seq.s32 @!p0 s5, $0x0  }
0x1f: {  	s9 =	smul.u32 $0xF7A, s1;
	s8 =	simm.s32 @!p0 $0x1BF5;
	p2 =	por !p2, p0  }
0x20: {  	[sflag:s8] =	ssyncset.s32 @!p0 $0xFFFFF086;
	s6 =	sadd.s32 @!p0 s3, s7;
	s7 =	simm.s32 @!p0 $0x108  }
0x21: {  	s3 =	sadd.s32 s3, s9;
	s6 =	sadd.s32 @!p0 $0x88, s6;
	s7 =	simm.s32 @p2 $0x1082  }
0x22: {  	[simem:s7], [sflag:s8] =	dma.local @!p0 [hbm:s6], $0xF7A  }
0x23: {  	s9 =	sor.u32 $0xD0000000, s2;
	s6 =	simm.s32 $0x108;
	_ =	swait.ge @!p0 [sflag:s8], $0x0  }
0x24: {  	s3 =	sadd.s32 $0x88, s3;
	s6 =	simm.s32 @!p1 $0x1082;
	[sflag:s4] =	ssyncset.s32 $0xFFFFF086  }
0x25: {  	[simem:s6], [sflag:s4] =	dma.local [hbm:s3], $0xF7A  }
0x26: {  	[smem:$0x3F9E] =	sst s1;
	(tag) =	ssettag s2;
	_ =	strace s9  }
0x27: {  	s1 =	sld [smem:$0x3FAE]  }
0x28: {  	s2 =	sld [smem:$0x3FAF]  }
0x29: {  	s4 =	sld [smem:$0x3FB1]  }
0x2a: {  	p0 =	seq.s32 s5, $0x0;
	s5 =	sld [smem:$0x3FB2]  }
0x2b: {  	s6 =	sld [smem:$0x3FB3]  }
0x2c: {  	s7 =	sld [smem:$0x3FB4]  }
0x2d: {  	s3 =	simm.s32 $0x108;
	s8 =	sld [smem:$0x3FB5]  }
0x2e: {  	s3 =	simm.s32 @!p0 $0x1082;
	s9 =	sld [smem:$0x3FB6]  }
0x2f: {  	lr =	sadd.s32 s0, s3;
	s0 =	sld [smem:$0x3FAD]  }
0x30: {  	s3 =	sld [smem:$0x3FB0]  }
0x31: {  	[smem:$0x3FB9] =	sst s10  }
0x32: {  	s10 =	sld [smem:$0x3FB7];
	_ =	sdelay $0x3  }
0x33: {  	p0 =	seq.s32 s10, $0x1;
	s10 =	sld [smem:$0x3FB9];
	_ =	sdelay $0x3  }
0x34: {  	[smem:$0x3FB9] =	sst s10  }
0x35: {  	s10 =	sld [smem:$0x3FB8];
	_ =	sdelay $0x3  }
0x36: {  	p1 =	seq.s32 s10, $0x1;
	s10 =	sld [smem:$0x3FB9];
	_ =	sdelay $0x3  }
0x37: {  	[smem:$0x3FB9] =	sst s10  }
0x38: {  	s10 =	sld [smem:$0x3FBA]  }
0x39: {  	_ = 	snop;
	(pc) =	sbr.ind lr, $3  }
0x3a: {  	_ = 	snop  }
0x3b: {  	_ = 	snop  }
0x3c: {  	p2 =	seq.s32 s10, $0x1;
	s10 =	sld [smem:$0x3FB9]  }
0x3d: {  	_ =	shalt  }
0x3e: {  	_ =	shalt  }
0x3f: {  	_ =	shalt  }
0x40: {  	_ =	shalt  }
0x41: {  	_ =	shalt  }
0x42: {  	_ =	shalt  }
0x43: {  	_ =	shalt  }
0x44: {  	_ =	shalt  }
0x45: {  	_ =	shalt  }
0x46: {  	_ =	shalt  }
0x47: {  	_ =	shalt  }
0x48: {  	_ =	shalt  }
0x49: {  	_ =	shalt  }
0x4a: {  	_ =	shalt  }
0x4b: {  	_ =	shalt  }
0x4c: {  	_ =	shalt  }
0x4d: {  	_ =	shalt  }
0x4e: {  	_ =	shalt  }
0x4f: {  	_ =	shalt  }
0x50: {  	_ =	shalt  }
0x51: {  	_ =	shalt  }
0x52: {  	_ =	shalt  }
0x53: {  	_ =	shalt  }
0x54: {  	_ =	shalt  }
0x55: {  	_ =	shalt  }
0x56: {  	_ =	shalt  }
0x57: {  	_ =	shalt  }
0x58: {  	_ =	shalt  }
0x59: {  	_ =	shalt  }
0x5a: {  	_ =	shalt  }
0x5b: {  	_ =	shalt  }
0x5c: {  	_ =	shalt  }
0x5d: {  	_ =	shalt  }
0x5e: {  	_ =	shalt  }
0x5f: {  	_ =	shalt  }
0x60: {  	_ =	shalt  }
0x61: {  	_ =	shalt  }
0x62: {  	_ =	shalt  }
0x63: {  	_ =	shalt  }
0x64: {  	_ =	shalt  }
0x65: {  	_ =	shalt  }
0x66: {  	_ =	shalt  }
0x67: {  	_ =	shalt  }
0x68: {  	_ =	shalt  }
0x69: {  	_ =	shalt  }
0x6a: {  	_ =	shalt  }
0x6b: {  	_ =	shalt  }
0x6c: {  	_ =	shalt  }
0x6d: {  	_ =	shalt  }
0x6e: {  	_ =	shalt  }
0x6f: {  	_ =	shalt  }
0x70: {  	_ =	shalt  }
0x71: {  	_ =	shalt  }
0x72: {  	_ =	shalt  }
0x73: {  	_ =	shalt  }
0x74: {  	_ =	shalt  }
0x75: {  	_ =	shalt  }
0x76: {  	_ =	shalt  }
0x77: {  	_ =	shalt  }
0x78: {  	_ =	shalt  }
0x79: {  	_ =	shalt  }
0x7a: {  	_ =	shalt  }
0x7b: {  	_ =	shalt  }
0x7c: {  	_ =	shalt  }
0x7d: {  	_ =	shalt  }
0x7e: {  	_ =	shalt  }
0x7f: {  	_ =	shalt  }
0x80: {  	_ =	shalt  }
0x81: {  	_ =	shalt  }
0x82: {  	_ =	shalt  }
0x83: {  	_ =	shalt  }
0x84: {  	_ =	shalt  }
0x85: {  	_ =	shalt  }
0x86: {  	_ =	shalt  }
0x87: {  	_ =	shalt  }
.Lfunc_end0:
.L_simem_size_0:
called_computation_lowered:
.L_overlay_start_0:
0x88: {  	s2 =	sld [smem:$0x3FD9]  }
0x89: {  	s3 =	sld [smem:$0x3FFE];
	_ =	sdelay $0x1  }
0x8a: {  	s1 =	srdreg.scid  }
0x8b: {  	s0 =	sand.u32 $0x1, s1  }
0x8c: {  	s14 =	sshll.u32 s0, $0xA;
	s2 =	sadd.s32 s3, s2  }
0x8d: {  	s2 =	sadd.s32 s2, s14  }
0x8e: {  	[smem:$0x3FC5] =	sst s2  }
0x8f: {  	_ = 	snop  }
0x90: {  	s2 =	sld [smem:$0x3FD0]  }
0x91: {  	s15 =	sld [smem:$0x3FC9]  }
0x92: {  	s4 =	sld [smem:$0x3FC8]  }
0x93: {  	s6 =	simm.s32 $0xA;
	s7 =	simm.s32 $0x10;
	s5 =	sld [smem:$0x3FC7]  }
0x94: {  	[smem:s7], [sflag:s6] =	dma.local [hbm:s2], $0x1  }
0x95: {  	_ =	swait.eq [sflag:s6], $0x1  }
0x96: {  	[sflag:s6] =	ssyncset.done $0x0  }
0x97: {  	s16 =	sld [smem:$0x10];
	[sflag:s6] =	ssyncadd.s32 $0xFFFFFFFF  }
0x98: {  	s17 =	sld [smem:$0x11];
	(tm) =	ssettm $0x1  }
0x99: {  	s18 =	sld [smem:$0x3FFB];
	_ =	sdelay $0x3  }
0x9a: {  	_ =	strace s18  }
0x9b: {  	s7 =	sld [smem:$0x3FFC];
	_ =	sdelay $0x3  }
0x9c: {  	_ =	strace s7  }
0x9d: {  	s7 =	sld [smem:$0x3FFD];
	_ =	sdelay $0x3  }
0x9e: {  	_ =	strace s7  }
0x9f: {  	_ =	strace $0x8FFFFFFF  }
0xa0: {  	s19 =	sld [smem:$0x3FDB];
	_ =	sdelay $0x1  }
0xa1: {  	s8 =	simm.s32 $_scs_section_size  }
0xa2: {  	s9 =	simm.s32 $_size__tile_overlayer_lowered;
	s10 =	simm.s32 $_tile_overlayer_lowered  }
0xa3: {  	s22 =	simm.s32 $0x1BFF;
	s21 =	sshll.u32 s10, $0x1;
	s7 =	sadd.s32 s8, s19  }
0xa4: {  	s11 =	simm.s32 $0x0;
	s20 =	sshll.u32 s9, $0x1;
	s9 =	sadd.s32 s21, s7  }
0xa5: {  	[timem:s11], [sflag:s22] =	dma.local [hbm:s9], s20  }
0xa6: {  	_ =	swait.ge [sflag:s22], s20  }
0xa7: {  	s8 =	ssub.s32 $0x0, s20;
	[sflag:s22] =	ssyncset.done $0x0  }
0xa8: {  	[sflag:s22] =	ssyncadd.s32 s8;
	_ =	sdelay $0x1  }
0xa9: {  	s23 =	simm.s32 $0x1B8B  }
0xaa: {  	_ =	swait.ge [sflag:s23], $0x1  }
0xab: {  	[sflag:s23] =	ssyncset.done $0x0  }
0xac: {  	s25 =	simm.s32 $0x1B8E;
	s24 =	sld [smem:$0x3FFE];
	[sflag:s23] =	ssyncadd.s32 $0xFFFFFFFF  }
0xad: {  	s26 =	simm.s32 $execute0_lowered;
	[smem:$0x3FD2] =	sst s25  }
0xae: {  	s9 =	sshll.u32 s26, $0x1;
	_ =	strace $0x80000046;
	[dreg:$0x1] =	wrdreg $0xFFFFFFFF  }
0xaf: {  	s28 =	simm.s32 $_size_execute0_lowered;
	s7 =	sadd.s32 s7, s9;
	[dreg:$0x0] =	wrdreg $0x0  }
0xb0: {  	s9 =	sshll.u32 s28, $0x1;
	[dreg:$0x2] =	wrdreg s7  }
0xb1: {  	[dreg:$0x3] =	wrdreg s9  }
0xb2: {  	[dreg:$0x4] =	wrdreg $0xC0  }
0xb3: {  	_ =	task [dreg:s11], $0x5FFFF  }
0xb4: {  	[dreg:$0x1] =	wrdreg $0xFFFFFFFF  }
0xb5: {  	[dreg:$0x0] =	wrdreg $0x60  }
0xb6: {  	[dreg:$0x2] =	wrdreg s15  }
0xb7: {  	[dreg:$0x3] =	wrdreg s4  }
0xb8: {  	[dreg:$0x4] =	wrdreg s5  }
0xb9: {  	[dreg:$0x5] =	wrdreg s24  }
0xba: {  	[dreg:$0x6] =	wrdreg s16  }
0xbb: {  	[dreg:$0x7] =	wrdreg s17  }
0xbc: {  	[dreg:$0x8] =	wrdreg $0xA8000  }
0xbd: {  	[dreg:$0x9] =	wrdreg $0x9  }
0xbe: {  	_ =	task.clear_ibuf [dreg:s11], $0xAFFFF;
	_ =	strace $0x90000046  }
0xbf: {  	s29 =	simm.s32 $0x9;
	_ =	strace $0x80000048  }
0xc0: {  	_ =	swait.ge [sflag:s29], $0x1  }
0xc1: {  	[sflag:s29] =	ssyncadd.s32 $0xFFFFFFFF  }
0xc2: {  	_ =	strace $0x90000048  }
0xc3: {  	_ =	sfence  }
0xc4: {  	s30 =	sld [smem:$0x0];
	_ =	sdelay $0x2  }
0xc5: {  	s31 =	sshll.u32 s1, $0xD;
	s1 =	sshrl.u32 s1, $0x2  }
0xc6: {  	s3 =	sand.u32 $0x4000, s31;
	s1 =	sadd.s32 s1, s30  }
0xc7: {  	s0 =	sor.u32 s3, s0;
	s1 =	sshll.u32 s1, $0x11  }
0xc8: {  	s0 =	sor.u32 s1, s0  }
0xc9: {  	s0 =	sadd.s32 $0x8F2B, s0  }
0xca: {  	[sflag:s0] =	ssyncadd.remote.s32 $0x1  }
0xcb: {  	_ =	sfence.sel $0xFFFF  }
0xcc: {  	[dreg:$0x0] =	wrdreg $0xFFFFFFFF;
	(pc) =	sbr.abs _section_cstart, $3  }
0xcd: {  	[dreg:$0x1] =	wrdreg $0xFFFFFFFF  }
0xce: {  	_ =	task.clear_ibuf [dreg:s11], $0x2FFFF;
	_ =	strace $0x9FFFFFFF  }
0xcf: {  	(tm) =	ssettm $0x7FFFFFFF  }
tec
execute0_lowered:
.L_overlay_start_1:
0x0: {  	(tag) =	ssettag $0x1  }
0x1: {  	s0 =	rddreg [dreg:$0x0]  }
0x2: {  	s1 =	rddreg [dreg:$0x1]  }
0x3: {  	s2 =	rddreg [dreg:$0x2]  }
0x4: {  	s7 =	rddreg [dreg:$0x3]  }
0x5: {  	s8 =	rddreg [dreg:$0x4]  }
0x6: {  	s9 =	rddreg [dreg:$0x5]  }
0x7: {  	s4 =	rddreg [dreg:$0x6]  }
0x8: {  	s3 =	srdreg.scid;
	s5 =	simm.s32 $0x0;
	s22 =	stileid.u32  }
0x9: {  	s10 =	sand.u32 $0x1, s3;
	s11 =	smul.u32 $0x14000, s22;
	[smem:$0x7FF] =	sst s5  }
0xa: {  	s7 =	sadd.s32 $0x600, s7;
	s3 =	ssub.s32 $0x2, s10;
	s6 =	sshll.u32 s10, $0x4  }
0xb: {  	s10 =	smul.u32 $0x140000, s10;
	s12 =	sshrl.u32 s3, $0x1;
	s13 =	sor.u32 s22, s6  }
0xc: {  	s14 =	sadd.s32 $0x5000, s11;
	s15 =	sadd.s32 $0x7800, s11;
	s16 =	sadd.s32 $0xA000, s11  }
0xd: {  	s19 =	sadd.s32 $0xC800, s11;
	s20 =	sadd.s32 $0xF000, s11;
	s21 =	sadd.s32 $0x11800, s11  }
0xe: {  	s3 =	ssub.s32 s3, s12;
	s6 =	smul.u32 $0x2710, s13;
	s12 =	sor.u32 $0x2800, s11  }
0xf: {  	s13 =	smul.u32 $0x500, s13;
	s11 =	sadd.s32 s11, s10;
	s18 =	sadd.s32 s10, s15  }
0x10: {  	s24 =	sadd.s32 s10, s16;
	s25 =	sshrl.u32 s11, $0x3;
	s26 =	sadd.s32 s10, s12  }
0x11: {  	s23 =	sshrl.u32 s18, $0x3;
	s9 =	sadd.s32 s9, s13;
	s11 =	sshrl.u32 s26, $0x3  }
0x12: {  	s13 =	sadd.s32 s10, s14;
	s26 =	sadd.s32 s10, s19;
	[dreg:$0x8] =	wrdreg s9  }
0x13: {  	s9 =	sadd.s32 s8, s25;
	s17 =	sshrl.u32 s13, $0x3;
	s25 =	sshrl.u32 s24, $0x3  }
0x14: {  	s13 =	sadd.s32 s10, s20;
	[dreg:$0x9] =	wrdreg s9;
	s9 =	sadd.s32 s8, s11  }
0x15: {  	s10 =	sadd.s32 s10, s21;
	[dreg:$0xa] =	wrdreg s9;
	s9 =	sadd.s32 s8, s17  }
0x16: {  	s24 =	smul.u32 $0x50000, s22;
	[dreg:$0xb] =	wrdreg s9;
	s9 =	sadd.s32 s8, s23  }
0x17: {  	s11 =	sshrl.u32 s26, $0x3;
	[dreg:$0xc] =	wrdreg s9;
	s9 =	sadd.s32 s8, s25  }
0x18: {  	s17 =	sshrl.u32 s13, $0x3;
	[dreg:$0xd] =	wrdreg s9;
	s9 =	sadd.s32 s8, s11  }
0x19: {  	s18 =	sshrl.u32 s10, $0x3;
	[dreg:$0xe] =	wrdreg s9;
	s9 =	sadd.s32 s8, s17  }
0x1a: {  	s30 =	sadd.s32 s19, s4;
	s8 =	sadd.s32 s8, s18;
	[dreg:$0xf] =	wrdreg s9  }
0x1b: {  	s19 =	sshrl.u32 s6, $0x3;
	s10 =	sshrl.u32 s24, $0x2;
	[dreg:$0x10] =	wrdreg s8  }
0x1c: {  	s13 =	sadd.s32 s10, s4;
	_ =	strace $0x80000047;
	[dreg:$0x11] =	wrdreg s7  }
0x1d: {  	s31 =	sadd.s32 s20, s4;
	s20 =	sadd.s32 s1, s19;
	[dreg:$0x16] =	wrdreg s13  }
0x1e: {  	s22 =	sadd.s32 s2, s19;
	[dreg:$0x1e] =	wrdreg s20  }
0x1f: {  	s28 =	sadd.s32 s15, s4;
	s3 =	smax.u32 s3, $0x1;
	[dreg:$0x1f] =	wrdreg s22  }
0x20: {  	s29 =	sadd.s32 s16, s4;
	s16 =	sadd.s32 s21, s4;
	[smem:$0x7FC] =	sst s3  }
0x21: {  	s15 =	simm.s32 $0x7;
	s21 =	sadd.s32 $0x4CE, s19;
	[dreg:$0x19] =	wrdreg s28  }
0x22: {  	s10 =	simm.s32 $0x3;
	s17 =	sadd.s32 $0x50, s6;
	[dreg:$0x1a] =	wrdreg s29  }
0x23: {  	s18 =	sadd.s32 $0xA0, s6;
	s23 =	sshrl.u32 s17, $0x3;
	[dreg:$0x1b] =	wrdreg s30  }
0x24: {  	s26 =	sshrl.u32 s18, $0x3;
	s9 =	simm.s32 $0x8000;
	[dreg:$0x1c] =	wrdreg s31  }
0x25: {  	s25 =	sadd.s32 s1, s23;
	s8 =	sadd.s32 s2, s23;
	[dreg:$0x1d] =	wrdreg s16  }
0x26: {  	s11 =	sadd.s32 s1, s26;
	s7 =	sadd.s32 s2, s26;
	[dreg:$0x12] =	wrdreg s25  }
0x27: {  	s26 =	sadd.s32 s14, s4;
	s23 =	sadd.s32 s1, s21;
	[dreg:$0x13] =	wrdreg s8  }
0x28: {  	s20 =	simm.s32 $0x400;
	s22 =	simm.s32 $0x1;
	[dreg:$0x14] =	wrdreg s11  }
0x29: {  	s3 =	simm.s32 $0x800;
	s14 =	simm.s32 $0x6;
	[dreg:$0x15] =	wrdreg s7  }
0x2a: {  	s13 =	simm.s32 $0x0;
	s25 =	sadd.s32 s12, s4;
	[smem:$0x7F8] =	sst s23  }
0x2b: {  	s7 =	sadd.s32 $0x4D8, s19;
	s8 =	sadd.s32 s2, s21;
	[smem:$0x7FD] =	sst s13  }
0x2c: {  	s19 =	simm.s32 $0x5800;
	s21 =	simm.s32 $0x9;
	[dreg:$0x18] =	wrdreg s26  }
0x2d: {  	s23 =	simm.s32 $0x50;
	s11 =	simm.s32 $0x4;
	[smem:$0x7F9] =	sst s8  }
0x2e: {  	s12 =	simm.s32 $0x5;
	s24 =	sadd.s32 s1, s7;
	[dreg:$0x17] =	wrdreg s25  }
0x2f: {  	s7 =	sadd.s32 s2, s7;
	s8 =	simm.s32 $0x2;
	[smem:$0x7FA] =	sst s24  }
0x30: {  	v0 =	vimm.f32 $0.0e+00;
	v1 =	vimm.f32 $1.000000000e+00;
	[smem:$0x7FB] =	sst s7;
	s24 =	simm.s32 $0x80;
	s7 =	simm.s32 $0x3000  }
.LBB2_1:
0x31: {  	s13 =	rddreg [dreg:$0x1e]  }
0x32: {  	[tilespmem:s5], [sflag:$0x1] =	stream.linear.gather [hbm4b:s13+s5], $0x50, $0x38;
	[tilespmem:$0x1E800] =	vst v63  }
0x33: {  	s13 =	rddreg [dreg:$0x1f]  }
0x34: {  	[tilespmem:s20], [sflag:$0x1] =	stream.linear.gather [hbm4b:s13+s5], $0x50, $0x38;
	[tilespmem:$0x1E800] =	vst v63  }
0x35: {  	s20 =	rddreg [dreg:$0x12]  }
0x36: {  	[tilespmem:s24], [sflag:$0x1] =	stream.linear.gather [hbm4b:s20+s5], $0x50, $0x38;
	[tilespmem:$0x1E800] =	vst v63  }
0x37: {  	s20 =	rddreg [dreg:$0x13];
	s24 =	simm.s32 $0x480  }
0x38: {  	[tilespmem:s24], [sflag:$0x1] =	stream.linear.gather [hbm4b:s20+s5], $0x50, $0x38;
	[tilespmem:$0x1E800] =	vst v63  }
0x39: {  	s20 =	rddreg [dreg:$0x14];
	s24 =	simm.s32 $0x100  }
0x3a: {  	[tilespmem:s24], [sflag:$0x1] =	stream.linear.gather [hbm4b:s20+s5], $0x50, $0x38;
	[tilespmem:$0x1E800] =	vst v63  }
0x3b: {  	s20 =	rddreg [dreg:$0x15];
	s24 =	simm.s32 $0x500  }
0x3c: {  	[tilespmem:s24], [sflag:$0x1] =	stream.linear.gather [hbm4b:s20+s5], $0x50, $0x38;
	[tilespmem:$0x1E800] =	vst v63  }
0x3d: {  	s20 =	rddreg [dreg:$0x11]  }
0x3e: {  	[tilespmem:s19], [sflag:$0x9] =	stream.linear.gather [hbm4b:s20+s5], $0x2800, $0x38;
	[tilespmem:$0x1E800] =	vst v63  }
0x3f: {  	_ =	swait.ge [sflag:s21], $0x2800  }
0x40: {  	[sflag:s21] =	ssyncset.done $0x0  }
0x41: {  	s24 =	rddreg [dreg:$0x16];
	[sflag:s21] =	ssyncadd.s32 $0xFFFFD800  }
0x42: {  	[spmem:s24] =	stream.linear.scatter [tilespmem:s19], [sflag:$0x8], $0x2800, $0x38;
	[tilespmem:$0x1E800] =	vst v63  }
0x43: {  	_ = 	snop  }
0x44: {  	[spmem:s25] =	stream.linear.scatter [tilespmem:s19], [sflag:$0x8], $0x2800, $0x38;
	[tilespmem:$0x1E800] =	vst v63  }
0x45: {  	_ = 	snop  }
0x46: {  	[spmem:s26] =	stream.linear.scatter [tilespmem:s19], [sflag:$0x8], $0x2800, $0x38;
	[tilespmem:$0x1E800] =	vst v63  }
0x47: {  	_ = 	snop  }
0x48: {  	[spmem:s28] =	stream.linear.scatter [tilespmem:s19], [sflag:$0x8], $0x2800, $0x38;
	[tilespmem:$0x1E800] =	vst v63  }
0x49: {  	_ = 	snop  }
0x4a: {  	[spmem:s29] =	stream.linear.scatter [tilespmem:s19], [sflag:$0x8], $0x2800, $0x38;
	[tilespmem:$0x1E800] =	vst v63  }
0x4b: {  	_ = 	snop  }
0x4c: {  	[spmem:s30] =	stream.linear.scatter [tilespmem:s19], [sflag:$0x8], $0x2800, $0x38;
	[tilespmem:$0x1E800] =	vst v63  }
0x4d: {  	_ = 	snop  }
0x4e: {  	[spmem:s31] =	stream.linear.scatter [tilespmem:s19], [sflag:$0x8], $0x2800, $0x38;
	[tilespmem:$0x1E800] =	vst v63  }
0x4f: {  	s20 =	simm.s32 $0x9;
	s24 =	simm.s32 $0x0;
	s25 =	simm.s32 $0x200  }
0x50: {  	[spmem:s16] =	stream.linear.scatter [tilespmem:s19], [sflag:$0x8], $0x2800, $0x38;
	[tilespmem:$0x1E800] =	vst v63  }
.LBB2_2:
0x51: {  	p0 =	sne.s32 s25, $0x9E00;
	[tilespmem:s24+$0x8070] =	vst v0  }
0x52: {  	[tilespmem:s24+$0x8000] =	vst v0  }
0x53: {  	[tilespmem:s24+$0x8010] =	vst v0  }
.Ltmp0:
0x54: {  	[tilespmem:s24+$0x8020] =	vst v0;
	(pc) =	sbr.rel @p0 .LBB2_2-.Ltmp0, $4  }
0x55: {  	[tilespmem:s24+$0x8030] =	vst v0  }
0x56: {  	[tilespmem:s24+$0x8040] =	vst v0  }
0x57: {  	[tilespmem:s24+$0x8050] =	vst v0  }
0x58: {  	[tilespmem:s24+$0x8060] =	vst v0;
	s24 =	sshra.s32 s25, $0x2;
	s25 =	sadd.s32 $0x200, s25  }
0x59: {  	[tilespmem:s24+$0x8070] =	vst v0  }
0x5a: {  	[tilespmem:s24+$0x8000] =	vst v0  }
0x5b: {  	[tilespmem:s24+$0x8010] =	vst v0  }
0x5c: {  	[tilespmem:s24+$0x8020] =	vst v0  }
0x5d: {  	[tilespmem:s24+$0x8030] =	vst v0  }
0x5e: {  	[tilespmem:s24+$0x8040] =	vst v0  }
0x5f: {  	[tilespmem:s24+$0x8050] =	vst v0  }
0x60: {  	[tilespmem:s24+$0x8060] =	vst v0;
	s13 =	simm.s32 $0x8  }
0x61: {  	_ =	swait.ge [sflag:s13], $0x2800  }
0x62: {  	[sflag:s13] =	ssyncset.done $0x0  }
0x63: {  	[sflag:s13] =	ssyncadd.s32 $0xFFFFD800  }
0x64: {  	_ =	swait.ge [sflag:s13], $0x2800  }
0x65: {  	[sflag:s13] =	ssyncset.done $0x0  }
0x66: {  	[sflag:s13] =	ssyncadd.s32 $0xFFFFD800  }
0x67: {  	_ =	swait.ge [sflag:s13], $0x2800  }
0x68: {  	[sflag:s13] =	ssyncset.done $0x0  }
0x69: {  	[sflag:s13] =	ssyncadd.s32 $0xFFFFD800  }
0x6a: {  	_ =	swait.ge [sflag:s13], $0x2800  }
0x6b: {  	[sflag:s13] =	ssyncset.done $0x0  }
0x6c: {  	[sflag:s13] =	ssyncadd.s32 $0xFFFFD800  }
0x6d: {  	_ =	swait.ge [sflag:s13], $0x2800  }
0x6e: {  	[sflag:s13] =	ssyncset.done $0x0  }
0x6f: {  	[sflag:s13] =	ssyncadd.s32 $0xFFFFD800  }
0x70: {  	_ =	swait.ge [sflag:s13], $0x2800  }
0x71: {  	[sflag:s13] =	ssyncset.done $0x0  }
0x72: {  	[sflag:s13] =	ssyncadd.s32 $0xFFFFD800  }
0x73: {  	_ =	swait.ge [sflag:s13], $0x2800  }
0x74: {  	[sflag:s13] =	ssyncset.done $0x0  }
0x75: {  	[sflag:s13] =	ssyncadd.s32 $0xFFFFD800  }
0x76: {  	_ =	swait.ge [sflag:s13], $0x2800  }
0x77: {  	[sflag:s13] =	ssyncset.done $0x0  }
0x78: {  	[sflag:s13] =	ssyncadd.s32 $0xFFFFD800  }
0x79: {  	s24 =	simm.s32 $0x0;
	s26 =	simm.s32 $0xF0;
	[bflag:$0x0] =	sbarrier.arrive $0xFFFF  }
.LBB2_4:
0x7a: {  	_ =	swait.ge [sflag:s22], $0x50  }
0x7b: {  	[sflag:s22] =	ssyncset.done $0x0  }
0x7c: {  	[sflag:s22] =	ssyncadd.s32 $0xFFFFFFB0  }
0x7d: {  	_ =	swait.ge [sflag:s22], $0x50  }
0x7e: {  	[sflag:s22] =	ssyncset.done $0x0  }
0x7f: {  	[sflag:s22] =	ssyncadd.s32 $0xFFFFFFB0  }
0x80: {  	_ =	swait.ge [sflag:s22], $0x50  }
0x81: {  	[sflag:s22] =	ssyncset.done $0x0  }
0x82: {  	[sflag:s22] =	ssyncadd.s32 $0xFFFFFFB0  }
0x83: {  	_ =	swait.ge [sflag:s22], $0x50  }
0x84: {  	[sflag:s22] =	ssyncset.done $0x0  }
0x85: {  	[sflag:s22] =	ssyncadd.s32 $0xFFFFFFB0  }
0x86: {  	_ =	swait.ge [sflag:s22], $0x50  }
0x87: {  	p0 =	seq.s32 s26, $0x2670;
	s25 =	smov.u32 s26;
	[sflag:s22] =	ssyncset.done $0x0  }
0x88: {  	s28 =	sand.u32 $0x1, s24;
	s25 =	simm.s32 @p0 $0x0;
	[sflag:s22] =	ssyncadd.s32 $0xFFFFFFB0  }
0x89: {  	s29 =	sxor.u32 $0x1, s28;
	s30 =	sadd.s32 s6, s25;
	_ =	swait.ge [sflag:s22], $0x50  }
0x8a: {  	s29 =	smul.u32 $0x180, s29;
	s30 =	sshrl.u32 s30, $0x3;
	[sflag:s22] =	ssyncset.done $0x0  }
0x8b: {  	s31 =	sadd.s32 s1, s30;
	[sflag:s22] =	ssyncadd.s32 $0xFFFFFFB0  }
0x8c: {  	[tilespmem:s29], [sflag:$0x1] =	stream.linear.gather [hbm4b:s31+s5], $0x50, $0x38;
	[tilespmem:$0x1E800] =	vst v63  }
0x8d: {  	s13 =	sadd.s32 s25, s17;
	s21 =	sor.u32 $0x400, s29;
	s30 =	sadd.s32 s2, s30  }
0x8e: {  	[tilespmem:s21], [sflag:$0x1] =	stream.linear.gather [hbm4b:s30+s5], $0x50, $0x38;
	[tilespmem:$0x1E800] =	vst v63  }
0x8f: {  	s30 =	sshrl.u32 s13, $0x3  }
0x90: {  	s16 =	sadd.s32 $0x80, s29;
	s31 =	sadd.s32 s25, s18;
	s13 =	sadd.s32 s1, s30  }
0x91: {  	[tilespmem:s16], [sflag:$0x1] =	stream.linear.gather [hbm4b:s13+s5], $0x50, $0x38;
	[tilespmem:$0x1E800] =	vst v63  }
0x92: {  	s21 =	sadd.s32 $0x480, s29;
	s30 =	sadd.s32 s2, s30;
	s13 =	sshrl.u32 s31, $0x3  }
0x93: {  	[tilespmem:s21], [sflag:$0x1] =	stream.linear.gather [hbm4b:s30+s5], $0x50, $0x38;
	[tilespmem:$0x1E800] =	vst v63  }
0x94: {  	s16 =	sadd.s32 $0x100, s29;
	s21 =	sadd.s32 s1, s13  }
0x95: {  	[tilespmem:s16], [sflag:$0x1] =	stream.linear.gather [hbm4b:s21+s5], $0x50, $0x38;
	[tilespmem:$0x1E800] =	vst v63  }
0x96: {  	s31 =	sadd.s32 $0x500, s29;
	s13 =	sadd.s32 s2, s13;
	s16 =	smul.u32 $0x180, s28  }
0x97: {  	[tilespmem:s31], [sflag:$0x1] =	stream.linear.gather [hbm4b:s13+s5], $0x50, $0x38;
	[tilespmem:$0x1E800] =	vst v63  }
0x98: {  	_ = 	snop  }
0x99: {  	[tilespmem:s3], [sflag:$0x2] =	stream.indirect.gather [hbm4b:s0+s23], $0x80, s16, s23, $0xb8;
	[tilespmem:$0x1E800] =	vst v63  }
0x9a: {  	s21 =	sadd.s32 $0x80, s16  }
0x9b: {  	[tilespmem:s7], [sflag:$0x3] =	stream.indirect.gather [hbm4b:s0+s23], $0x80, s21, s23, $0xb8;
	[tilespmem:$0x1E800] =	vst v63  }
0x9c: {  	s28 =	sadd.s32 $0x100, s16  }
0x9d: {  	[tilespmem:s19], [sflag:$0x4] =	stream.indirect.gather [hbm4b:s0+s23], $0x80, s28, s23, $0xb8;
	[tilespmem:$0x1E800] =	vst v63  }
0x9e: {  	_ =	swait.ge [sflag:s8], $0x2800  }
0x9f: {  	[sflag:s8] =	ssyncset.done $0x0  }
0xa0: {  	s29 =	sor.u32 $0x400, s16;
	[sflag:s8] =	ssyncadd.s32 $0xFFFFD800  }
0xa1: {  	[spmem:s4] =	stream.indirect.scatter.add.f32 [tilespmem:s3], [sflag:$0x5], $0x80, s29, s23, $0xb8;
	[tilespmem:$0x1E800] =	vst v63  }
0xa2: {  	v2 =	vld [tilespmem:s16+$0x400];
	_ =	sdelay $0x7  }
0xa3: {  	[tilespmem:v2+s9+$0x0] =	vst.idx.add.f32.msk $0xffff, v1  }
0xa4: {  	v2 =	vld [tilespmem:s16+$0x410];
	_ =	sdelay $0x7  }
0xa5: {  	[tilespmem:v2+s9+$0x0] =	vst.idx.add.f32.msk $0xffff, v1  }
0xa6: {  	v2 =	vld [tilespmem:s16+$0x420];
	_ =	sdelay $0x7  }
0xa7: {  	[tilespmem:v2+s9+$0x0] =	vst.idx.add.f32.msk $0xffff, v1  }
0xa8: {  	v2 =	vld [tilespmem:s16+$0x430];
	_ =	sdelay $0x7  }
0xa9: {  	[tilespmem:v2+s9+$0x0] =	vst.idx.add.f32.msk $0xffff, v1  }
0xaa: {  	v2 =	vld [tilespmem:s16+$0x440];
	_ =	sdelay $0x7  }
0xab: {  	[tilespmem:v2+s9+$0x0] =	vst.idx.add.f32.msk $0xffff, v1  }
0xac: {  	_ =	swait.ge [sflag:s10], $0x2800  }
0xad: {  	[sflag:s10] =	ssyncset.done $0x0  }
0xae: {  	s30 =	sadd.s32 $0x480, s16;
	[sflag:s10] =	ssyncadd.s32 $0xFFFFD800  }
0xaf: {  	[spmem:s4] =	stream.indirect.scatter.add.f32 [tilespmem:s7], [sflag:$0x6], $0x80, s30, s23, $0xb8;
	[tilespmem:$0x1E800] =	vst v63  }
0xb0: {  	v2 =	vld [tilespmem:s16+$0x480];
	_ =	sdelay $0x7  }
0xb1: {  	[tilespmem:v2+s9+$0x0] =	vst.idx.add.f32.msk $0xffff, v1  }
0xb2: {  	v2 =	vld [tilespmem:s16+$0x490];
	_ =	sdelay $0x7  }
0xb3: {  	[tilespmem:v2+s9+$0x0] =	vst.idx.add.f32.msk $0xffff, v1  }
0xb4: {  	v2 =	vld [tilespmem:s16+$0x4A0];
	_ =	sdelay $0x7  }
0xb5: {  	[tilespmem:v2+s9+$0x0] =	vst.idx.add.f32.msk $0xffff, v1  }
0xb6: {  	v2 =	vld [tilespmem:s16+$0x4B0];
	_ =	sdelay $0x7  }
0xb7: {  	[tilespmem:v2+s9+$0x0] =	vst.idx.add.f32.msk $0xffff, v1  }
0xb8: {  	v2 =	vld [tilespmem:s16+$0x4C0];
	_ =	sdelay $0x7  }
0xb9: {  	[tilespmem:v2+s9+$0x0] =	vst.idx.add.f32.msk $0xffff, v1  }
0xba: {  	_ =	swait.ge [sflag:s11], $0x2800  }
0xbb: {  	[sflag:s11] =	ssyncset.done $0x0  }
0xbc: {  	s31 =	sadd.s32 $0x500, s16;
	[sflag:s11] =	ssyncadd.s32 $0xFFFFD800  }
0xbd: {  	[spmem:s4] =	stream.indirect.scatter.add.f32 [tilespmem:s19], [sflag:$0x7], $0x80, s31, s23, $0xb8;
	[tilespmem:$0x1E800] =	vst v63  }
0xbe: {  	v2 =	vld [tilespmem:s16+$0x500];
	_ =	sdelay $0x7  }
0xbf: {  	[tilespmem:v2+s9+$0x0] =	vst.idx.add.f32.msk $0xffff, v1  }
0xc0: {  	v2 =	vld [tilespmem:s16+$0x510];
	_ =	sdelay $0x7  }
0xc1: {  	[tilespmem:v2+s9+$0x0] =	vst.idx.add.f32.msk $0xffff, v1  }
0xc2: {  	v2 =	vld [tilespmem:s16+$0x520];
	_ =	sdelay $0x7  }
0xc3: {  	[tilespmem:v2+s9+$0x0] =	vst.idx.add.f32.msk $0xffff, v1  }
0xc4: {  	v2 =	vld [tilespmem:s16+$0x530];
	_ =	sdelay $0x7  }
0xc5: {  	[tilespmem:v2+s9+$0x0] =	vst.idx.add.f32.msk $0xffff, v1  }
0xc6: {  	v2 =	vld [tilespmem:s16+$0x540];
	_ =	sdelay $0x7  }
0xc7: {  	[tilespmem:v2+s9+$0x0] =	vst.idx.add.f32.msk $0xffff, v1  }
0xc8: {  	_ =	swait.ge [sflag:s12], $0x2800  }
0xc9: {  	[sflag:s12] =	ssyncset.done $0x0  }
0xca: {  	[sflag:s12] =	ssyncadd.s32 $0xFFFFD800  }
0xcb: {  	p0 =	sne.s32 s24, $0x28;
	_ =	swait.ge [sflag:s14], $0x2800  }
.Ltmp1:
0xcc: {  	[sflag:s14] =	ssyncset.done $0x0;
	(pc) =	sbr.rel @p0 .LBB2_4-.Ltmp1, $4  }
0xcd: {  	[sflag:s14] =	ssyncadd.s32 $0xFFFFD800  }
0xce: {  	_ =	swait.ge [sflag:s15], $0x2800  }
0xcf: {  	[sflag:s15] =	ssyncset.done $0x0  }
0xd0: {  	s26 =	sadd.s32 $0xF0, s26;
	s24 =	sadd.s32 $0x1, s24;
	[sflag:s15] =	ssyncadd.s32 $0xFFFFD800  }
0xd1: {  	_ =	swait.ge [sflag:s22], $0x50  }
0xd2: {  	[sflag:s22] =	ssyncset.done $0x0  }
0xd3: {  	[sflag:s22] =	ssyncadd.s32 $0xFFFFFFB0  }
0xd4: {  	_ =	swait.ge [sflag:s22], $0x50  }
0xd5: {  	[sflag:s22] =	ssyncset.done $0x0  }
0xd6: {  	[sflag:s22] =	ssyncadd.s32 $0xFFFFFFB0  }
0xd7: {  	_ =	swait.ge [sflag:s22], $0x50  }
0xd8: {  	[sflag:s22] =	ssyncset.done $0x0  }
0xd9: {  	[sflag:s22] =	ssyncadd.s32 $0xFFFFFFB0  }
0xda: {  	_ =	swait.ge [sflag:s22], $0x50  }
0xdb: {  	[sflag:s22] =	ssyncset.done $0x0  }
0xdc: {  	[sflag:s22] =	ssyncadd.s32 $0xFFFFFFB0  }
0xdd: {  	_ =	swait.ge [sflag:s22], $0x50  }
0xde: {  	[sflag:s22] =	ssyncset.done $0x0  }
0xdf: {  	[sflag:s22] =	ssyncadd.s32 $0xFFFFFFB0  }
0xe0: {  	_ =	swait.ge [sflag:s22], $0x50  }
0xe1: {  	s13 =	sld [smem:$0x7F8]  }
0xe2: {  	[sflag:s22] =	ssyncset.done $0x0  }
0xe3: {  	[sflag:s22] =	ssyncadd.s32 $0xFFFFFFB0  }
0xe4: {  	[tilespmem:s5], [sflag:$0x9] =	stream.linear.gather [hbm4b:s13+s5], $0x50, $0x38;
	[tilespmem:$0x1E800] =	vst v63  }
0xe5: {  	_ =	swait.ge [sflag:s20], $0x50  }
0xe6: {  	s24 =	sld [smem:$0x7F9]  }
0xe7: {  	[sflag:s20] =	ssyncset.done $0x0  }
0xe8: {  	s16 =	simm.s32 $0x400;
	[sflag:s20] =	ssyncadd.s32 $0xFFFFFFB0  }
0xe9: {  	[tilespmem:s16], [sflag:$0x9] =	stream.linear.gather [hbm4b:s24+s5], $0x50, $0x38;
	[tilespmem:$0x1E800] =	vst v63  }
0xea: {  	_ =	swait.ge [sflag:s20], $0x50  }
0xeb: {  	s25 =	sld [smem:$0x7FA]  }
0xec: {  	[sflag:s20] =	ssyncset.done $0x0  }
0xed: {  	s21 =	simm.s32 $0x9;
	s26 =	simm.s32 $0x80;
	[sflag:s20] =	ssyncadd.s32 $0xFFFFFFB0  }
0xee: {  	[tilespmem:s26], [sflag:$0x9] =	stream.linear.gather [hbm4b:s25+s5], $0x50, $0x38;
	[tilespmem:$0x1E800] =	vst v63  }
0xef: {  	_ =	swait.ge [sflag:s21], $0x50  }
0xf0: {  	s25 =	sld [smem:$0x7FB]  }
0xf1: {  	[sflag:s21] =	ssyncset.done $0x0  }
0xf2: {  	s24 =	simm.s32 $0x480;
	[sflag:s21] =	ssyncadd.s32 $0xFFFFFFB0  }
0xf3: {  	[tilespmem:s24], [sflag:$0x9] =	stream.linear.gather [hbm4b:s25+s5], $0x50, $0x38;
	[tilespmem:$0x1E800] =	vst v63  }
0xf4: {  	_ =	swait.ge [sflag:s21], $0x50  }
0xf5: {  	[sflag:s21] =	ssyncset.done $0x0  }
0xf6: {  	[sflag:s21] =	ssyncadd.s32 $0xFFFFFFB0  }
0xf7: {  	[tilespmem:s3], [sflag:$0x2] =	stream.indirect.gather [hbm4b:s0+s23], $0x80, s5, s23, $0xb8;
	[tilespmem:$0x1E800] =	vst v63  }
0xf8: {  	_ = 	snop  }
0xf9: {  	[tilespmem:s7], [sflag:$0x3] =	stream.indirect.gather [hbm4b:s0+s23], $0x80, s26, s23, $0xb8;
	[tilespmem:$0x1E800] =	vst v63  }
0xfa: {  	_ =	swait.ge [sflag:s8], $0x2800  }
0xfb: {  	[sflag:s8] =	ssyncset.done $0x0  }
0xfc: {  	[sflag:s8] =	ssyncadd.s32 $0xFFFFD800  }
0xfd: {  	[spmem:s4] =	stream.indirect.scatter.add.f32 [tilespmem:s3], [sflag:$0x5], $0x80, s16, s23, $0xb8;
	[tilespmem:$0x1E800] =	vst v63  }
0xfe: {  	v2 =	vld [tilespmem:$0x400];
	_ =	sdelay $0x7  }
0xff: {  	[tilespmem:v2+s9+$0x0] =	vst.idx.add.f32.msk $0xffff, v1  }
0x100: {  	v2 =	vld [tilespmem:$0x410];
	_ =	sdelay $0x7  }
0x101: {  	[tilespmem:v2+s9+$0x0] =	vst.idx.add.f32.msk $0xffff, v1  }
0x102: {  	v2 =	vld [tilespmem:$0x420];
	_ =	sdelay $0x7  }
0x103: {  	[tilespmem:v2+s9+$0x0] =	vst.idx.add.f32.msk $0xffff, v1  }
0x104: {  	v2 =	vld [tilespmem:$0x430];
	_ =	sdelay $0x7  }
0x105: {  	[tilespmem:v2+s9+$0x0] =	vst.idx.add.f32.msk $0xffff, v1  }
0x106: {  	v2 =	vld [tilespmem:$0x440];
	_ =	sdelay $0x7  }
0x107: {  	[tilespmem:v2+s9+$0x0] =	vst.idx.add.f32.msk $0xffff, v1  }
0x108: {  	_ =	swait.ge [sflag:s10], $0x2800  }
0x109: {  	[sflag:s10] =	ssyncset.done $0x0  }
0x10a: {  	[sflag:s10] =	ssyncadd.s32 $0xFFFFD800  }
0x10b: {  	[spmem:s4] =	stream.indirect.scatter.add.f32 [tilespmem:s7], [sflag:$0x6], $0x80, s24, s23, $0xb8;
	[tilespmem:$0x1E800] =	vst v63  }
0x10c: {  	v2 =	vld [tilespmem:$0x480];
	_ =	sdelay $0x7  }
0x10d: {  	[tilespmem:v2+s9+$0x0] =	vst.idx.add.f32.msk $0xffff, v1  }
0x10e: {  	v2 =	vld [tilespmem:$0x490];
	_ =	sdelay $0x7  }
0x10f: {  	[tilespmem:v2+s9+$0x0] =	vst.idx.add.f32.msk $0xffff, v1  }
0x110: {  	v2 =	vld [tilespmem:$0x4A0];
	_ =	sdelay $0x7  }
0x111: {  	[tilespmem:v2+s9+$0x0] =	vst.idx.add.f32.msk $0xffff, v1  }
0x112: {  	v2 =	vld [tilespmem:$0x4B0];
	_ =	sdelay $0x7  }
0x113: {  	[tilespmem:v2+s9+$0x0] =	vst.idx.add.f32.msk $0xffff, v1  }
0x114: {  	v2 =	vld [tilespmem:$0x4C0];
	_ =	sdelay $0x7  }
0x115: {  	[tilespmem:v2+s9+$0x0] =	vst.idx.add.f32.msk $0xffff, v1  }
0x116: {  	_ =	swait.ge [sflag:s12], $0x2800  }
0x117: {  	[sflag:s12] =	ssyncset.done $0x0  }
0x118: {  	[sflag:s12] =	ssyncadd.s32 $0xFFFFD800  }
0x119: {  	_ =	swait.ge [sflag:s14], $0x2800  }
0x11a: {  	[sflag:s14] =	ssyncset.done $0x0  }
0x11b: {  	[sflag:s14] =	ssyncadd.s32 $0xFFFFD800  }
0x11c: {  	[bflag:$0x0] =	sbarrier.arrive $0xFFFF  }
0x11d: {  	s26 =	rddreg [dreg:$0x8]  }
0x11e: {  	[hbm4b:s26+s5] =	stream.linear.scatter [tilespmem:s9], [sflag:$0x8], $0x2800, $0x38;
	[tilespmem:$0x1E800] =	vst v63  }
0x11f: {  	s16 =	rddreg [dreg:$0x16]  }
0x120: {  	[tilespmem:s3], [sflag:$0x2] =	stream.linear.gather [spmem:s16], $0x2800, $0x38;
	[tilespmem:$0x1E800] =	vst v63  }
0x121: {  	_ =	swait.ge [sflag:s8], $0x2800  }
0x122: {  	[sflag:s8] =	ssyncset.done $0x0  }
0x123: {  	s25 =	rddreg [dreg:$0x17];
	[sflag:s8] =	ssyncadd.s32 $0xFFFFD800  }
0x124: {  	[tilespmem:s7], [sflag:$0x3] =	stream.linear.gather [spmem:s25], $0x2800, $0x38;
	[tilespmem:$0x1E800] =	vst v63  }
0x125: {  	s20 =	rddreg [dreg:$0x9]  }
0x126: {  	[hbm4b:s20+s5] =	stream.linear.scatter [tilespmem:s3], [sflag:$0x5], $0x2800, $0x38;
	[tilespmem:$0x1E800] =	vst v63  }
0x127: {  	_ =	swait.ge [sflag:s10], $0x2800  }
0x128: {  	[sflag:s10] =	ssyncset.done $0x0  }
0x129: {  	[sflag:s10] =	ssyncadd.s32 $0xFFFFD800  }
0x12a: {  	_ =	swait.ge [sflag:s12], $0x2800  }
0x12b: {  	[sflag:s12] =	ssyncset.done $0x0  }
0x12c: {  	s26 =	rddreg [dreg:$0x18];
	[sflag:s12] =	ssyncadd.s32 $0xFFFFD800  }
0x12d: {  	[tilespmem:s3], [sflag:$0x2] =	stream.linear.gather [spmem:s26], $0x2800, $0x38;
	[tilespmem:$0x1E800] =	vst v63  }
0x12e: {  	s24 =	rddreg [dreg:$0xa]  }
0x12f: {  	[hbm4b:s24+s5] =	stream.linear.scatter [tilespmem:s7], [sflag:$0x6], $0x2800, $0x38;
	[tilespmem:$0x1E800] =	vst v63  }
0x130: {  	_ =	swait.ge [sflag:s8], $0x2800  }
0x131: {  	[sflag:s8] =	ssyncset.done $0x0  }
0x132: {  	[sflag:s8] =	ssyncadd.s32 $0xFFFFD800  }
0x133: {  	_ =	swait.ge [sflag:s14], $0x2800  }
0x134: {  	[sflag:s14] =	ssyncset.done $0x0  }
0x135: {  	s28 =	rddreg [dreg:$0x19];
	[sflag:s14] =	ssyncadd.s32 $0xFFFFD800  }
0x136: {  	[tilespmem:s7], [sflag:$0x3] =	stream.linear.gather [spmem:s28], $0x2800, $0x38;
	[tilespmem:$0x1E800] =	vst v63  }
0x137: {  	s16 =	rddreg [dreg:$0xb]  }
0x138: {  	[hbm4b:s16+s5] =	stream.linear.scatter [tilespmem:s3], [sflag:$0x5], $0x2800, $0x38;
	[tilespmem:$0x1E800] =	vst v63  }
0x139: {  	_ =	swait.ge [sflag:s10], $0x2800  }
0x13a: {  	[sflag:s10] =	ssyncset.done $0x0  }
0x13b: {  	[sflag:s10] =	ssyncadd.s32 $0xFFFFD800  }
0x13c: {  	_ =	swait.ge [sflag:s12], $0x2800  }
0x13d: {  	[sflag:s12] =	ssyncset.done $0x0  }
0x13e: {  	s29 =	rddreg [dreg:$0x1a];
	[sflag:s12] =	ssyncadd.s32 $0xFFFFD800  }
0x13f: {  	[tilespmem:s3], [sflag:$0x2] =	stream.linear.gather [spmem:s29], $0x2800, $0x38;
	[tilespmem:$0x1E800] =	vst v63  }
0x140: {  	s20 =	rddreg [dreg:$0xc]  }
0x141: {  	[hbm4b:s20+s5] =	stream.linear.scatter [tilespmem:s7], [sflag:$0x6], $0x2800, $0x38;
	[tilespmem:$0x1E800] =	vst v63  }
0x142: {  	_ =	swait.ge [sflag:s8], $0x2800  }
0x143: {  	[sflag:s8] =	ssyncset.done $0x0  }
0x144: {  	[sflag:s8] =	ssyncadd.s32 $0xFFFFD800  }
0x145: {  	_ =	swait.ge [sflag:s14], $0x2800  }
0x146: {  	[sflag:s14] =	ssyncset.done $0x0  }
0x147: {  	s30 =	rddreg [dreg:$0x1b];
	[sflag:s14] =	ssyncadd.s32 $0xFFFFD800  }
0x148: {  	[tilespmem:s7], [sflag:$0x3] =	stream.linear.gather [spmem:s30], $0x2800, $0x38;
	[tilespmem:$0x1E800] =	vst v63  }
0x149: {  	s24 =	rddreg [dreg:$0xd]  }
0x14a: {  	[hbm4b:s24+s5] =	stream.linear.scatter [tilespmem:s3], [sflag:$0x5], $0x2800, $0x38;
	[tilespmem:$0x1E800] =	vst v63  }
0x14b: {  	_ =	swait.ge [sflag:s10], $0x2800  }
0x14c: {  	[sflag:s10] =	ssyncset.done $0x0  }
0x14d: {  	[sflag:s10] =	ssyncadd.s32 $0xFFFFD800  }
0x14e: {  	_ =	swait.ge [sflag:s12], $0x2800  }
0x14f: {  	[sflag:s12] =	ssyncset.done $0x0  }
0x150: {  	s31 =	rddreg [dreg:$0x1c];
	[sflag:s12] =	ssyncadd.s32 $0xFFFFD800  }
0x151: {  	[tilespmem:s3], [sflag:$0x2] =	stream.linear.gather [spmem:s31], $0x2800, $0x38;
	[tilespmem:$0x1E800] =	vst v63  }
0x152: {  	s16 =	rddreg [dreg:$0xe]  }
0x153: {  	[hbm4b:s16+s5] =	stream.linear.scatter [tilespmem:s7], [sflag:$0x6], $0x2800, $0x38;
	[tilespmem:$0x1E800] =	vst v63  }
0x154: {  	_ =	swait.ge [sflag:s8], $0x2800  }
0x155: {  	[sflag:s8] =	ssyncset.done $0x0  }
0x156: {  	[sflag:s8] =	ssyncadd.s32 $0xFFFFD800  }
0x157: {  	_ =	swait.ge [sflag:s14], $0x2800  }
0x158: {  	[sflag:s14] =	ssyncset.done $0x0  }
0x159: {  	s16 =	rddreg [dreg:$0x1d];
	[sflag:s14] =	ssyncadd.s32 $0xFFFFD800  }
0x15a: {  	[tilespmem:s7], [sflag:$0x3] =	stream.linear.gather [spmem:s16], $0x2800, $0x38;
	[tilespmem:$0x1E800] =	vst v63  }
0x15b: {  	s20 =	rddreg [dreg:$0xf]  }
0x15c: {  	[hbm4b:s20+s5] =	stream.linear.scatter [tilespmem:s3], [sflag:$0x5], $0x2800, $0x38;
	[tilespmem:$0x1E800] =	vst v63  }
0x15d: {  	_ =	swait.ge [sflag:s10], $0x2800  }
0x15e: {  	[sflag:s10] =	ssyncset.done $0x0  }
0x15f: {  	s24 =	rddreg [dreg:$0x10];
	[sflag:s10] =	ssyncadd.s32 $0xFFFFD800  }
0x160: {  	[hbm4b:s24+s5] =	stream.linear.scatter [tilespmem:s7], [sflag:$0x6], $0x2800, $0x38;
	[tilespmem:$0x1E800] =	vst v63  }
0x161: {  	_ =	swait.ge [sflag:s12], $0x2800  }
0x162: {  	[sflag:s12] =	ssyncset.done $0x0  }
0x163: {  	[sflag:s12] =	ssyncadd.s32 $0xFFFFD800  }
0x164: {  	_ =	swait.ge [sflag:s14], $0x2800  }
0x165: {  	[sflag:s14] =	ssyncset.done $0x0  }
0x166: {  	s20 =	simm.s32 $0x8;
	[sflag:s14] =	ssyncadd.s32 $0xFFFFD800  }
0x167: {  	_ =	swait.ge [sflag:s20], $0x2800  }
0x168: {  	s13 =	sld [smem:$0x7FD];
	_ =	sdelay $0x2  }
0x169: {  	s24 =	sadd.s32 $0x1, s13;
	s13 =	sld [smem:$0x7FC];
	_ =	sdelay $0x2  }
0x16a: {  	p0 =	sne.s32 s24, s13  }
.Ltmp2:
0x16b: {  	_ = 	snop;
	(pc) =	sbr.rel @p0 .LBB2_1-.Ltmp2, $4  }
0x16c: {  	_ = 	snop  }
0x16d: {  	[sflag:s20] =	ssyncset.done $0x0  }
0x16e: {  	[sflag:s20] =	ssyncadd.s32 $0xFFFFD800  }
0x16f: {  	s20 =	simm.s32 $0x400;
	[smem:$0x7FD] =	sst s24;
	s24 =	simm.s32 $0x80  }
0x170: {  	_ =	sfence.sel $0x180000  }
0x171: {  	[bflag:$0x0] =	sbarrier.arrive $0xFFFF  }
0x172: {  	_ =	strace $0x90000047  }
0x173: {  	s0 =	stileid.u32;
	[bflag:$0x2] =	sbarrier.arrive $0xFFFF  }
0x174: {  	p0 =	sne.s32 s0, $0x0;
	s0 =	rddreg [dreg:$0x7]  }
0x175: {  	s0 =	sadd.s32 @!p0 $0x100000, s0  }
0x176: {  	[sflag:s0] =	ssyncadd.tile.s32 @!p0 $0x1;
	_ =	shalt  }
.Lfunc_end2:
_tile_overlayer_lowered:
.L_overlay_start_2:
0x177: {  	(tag) =	ssettag $0x2  }
0x178: {  	s0 =	rddreg [dreg:$0x0];
	s2 =	stileid.u32  }
0x179: {  	s1 =	rddreg [dreg:$0x1];
	p0 =	sne.s32 s2, $0x0  }
0x17a: {  	s3 =	rddreg [dreg:$0x2];
	[bflag:$0x3] =	sbarrier.arrive $0xFFFF;
	s2 =	simm.s32 @!p0 $0x1C09  }
0x17b: {  	[timem:s3], [sflag:s2] =	dma.local @!p0 [hbm:s0], s1  }
0x17c: {  	s0 =	simm.s32 @!p0 $0x9  }
0x17d: {  	_ =	swait.ge @!p0 [sflag:s0], s1  }
0x17e: {  	s1 =	ssub.s32 @!p0 $0x0, s1;
	[sflag:s0] =	ssyncset.done @!p0 $0x0  }
0x17f: {  	[sflag:s0] =	ssyncadd.s32 @!p0 s1  }
0x180: {  	[bflag:$0x3] =	sbarrier.arrive $0xFFFF  }
0x181: {  	_ =	shalt  }

</sc_bundles>
